<compile_context>
chip_gen: v7x
topology: tpu7x:2x2x1
jax: 0.10.2.dev20260603
libtpu: 0.0.44.dev20260713+nightly
codegen_flags: <defaults>
</compile_context>

<pallas_src>
import functools

import jax
import jax.numpy as jnp
from jax import lax
from jax.experimental import pallas as pl
from jax.experimental.pallas import tpu as pltpu
from jax.experimental.pallas import tpu_sc as plsc

N = 10000
E = 320000
D = 128
NC, NS, L = 2, 16, 16
NW = NC * NS
K = 64
NCHUNK = 158
EPT = NCHUNK * K
EPAD = NW * EPT
NPAD = 10240
RPT = NPAD // NS
RB = K
NCOPY = RPT // RB
DPT = 640
DPAD = DPT * NS


def _sc_segment_sum(h, src, dst):
  mesh = plsc.VectorSubcoreMesh(core_axis_name="c", subcore_axis_name="s")

  @functools.partial(
      pl.kernel,
      out_type=[
          jax.ShapeDtypeStruct((NC, NPAD, D), jnp.float32),
          jax.ShapeDtypeStruct((NC * DPAD,), jnp.float32),
      ],
      mesh=mesh,
      scratch_types=[
          pltpu.VMEM_SHARED((NPAD, D), jnp.float32),
          pltpu.VMEM_SHARED((DPAD,), jnp.float32),
          pltpu.VMEM((DPT,), jnp.float32),
          pltpu.VMEM((K,), jnp.int32),
          pltpu.VMEM((K,), jnp.int32),
          pltpu.VMEM((NCHUNK, K), jnp.int32),
          pltpu.VMEM((K, D), jnp.float32),
          pltpu.VMEM((K, D), jnp.float32),
          pltpu.VMEM((K,), jnp.float32),
          pltpu.SemaphoreType.DMA,
          pltpu.SemaphoreType.DMA,
          pltpu.SemaphoreType.DMA,
          pltpu.SemaphoreType.DMA,
          pltpu.SemaphoreType.DMA,
          pltpu.SemaphoreType.DMA,
          pltpu.SemaphoreType.DMA,
      ],
  )
  def seg_sum(h_hbm, src_hbm, dst_hbm, psum_hbm, dcnt_hbm,
              accum, dega, dbuf, isb0, isb1, idst, rows0, rows1, ones,
              semi0, semi1, semg0, semg1, sems0, sems1, semd):
    c = lax.axis_index("c")
    s = lax.axis_index("s")
    wid = c * NS + s

    zero16 = jnp.zeros((L,), jnp.float32)
    one16 = jnp.ones((L,), jnp.float32)

    def zrow(i, carry):
      for j in range(D // L):
        rows0[i, pl.ds(j * L, L)] = zero16
      return carry

    lax.fori_loop(0, RB, zrow, 0)

    def zdeg(i, carry):
      dbuf[pl.ds(i * L, L)] = zero16
      return carry

    lax.fori_loop(0, DPT // L, zdeg, 0)

    for j in range(K // L):
      ones[pl.ds(j * L, L)] = one16

    pltpu.sync_copy(dst_hbm.at[wid], idst)

    for kk in range(NCOPY):
      pltpu.sync_copy(rows0, accum.at[pl.ds(s * RPT + kk * RB, RB)])
    pltpu.sync_copy(dbuf, dega.at[pl.ds(s * DPT, DPT)])

    def i_start(i, buf, sem):
      pltpu.async_copy(src_hbm.at[wid, jnp.minimum(i, NCHUNK - 1)], buf, sem)

    def i_wait(i, buf, sem):
      pltpu.make_async_copy(
          src_hbm.at[wid, jnp.minimum(i, NCHUNK - 1)], buf, sem).wait()

    def g_start(ib, buf, sem):
      pltpu.async_copy(h_hbm.at[ib], buf, sem)

    def g_wait(ib, buf, sem):
      pltpu.make_async_copy(h_hbm.at[ib], buf, sem).wait()

    def s_start(i, buf, sem):
      pltpu.async_copy(buf, accum.at[idst.at[i]], sem, add=True)

    def s_wait(i, buf, sem):
      pltpu.make_async_copy(buf, accum.at[idst.at[i]], sem).wait()

    def d_start(i):
      pltpu.async_copy(ones, dega.at[idst.at[i]], semd, add=True)

    def d_wait(i):
      pltpu.make_async_copy(ones, dega.at[idst.at[i]], semd).wait()

    i_start(0, isb0, semi0)
    i_start(1, isb1, semi1)
    i_wait(0, isb0, semi0)
    g_start(isb0, rows0, semg0)
    i_wait(1, isb1, semi1)
    g_start(isb1, rows1, semg1)
    plsc.subcore_barrier()

    P = NCHUNK // 2

    def body(p, carry):
      i0 = 2 * p
      i1 = i0 + 1
      g_wait(isb0, rows0, semg0)
      i_start(i0 + 2, isb0, semi0)
      s_start(i0, rows0, sems0)
      d_start(i0)
      g_wait(isb1, rows1, semg1)
      i_start(i1 + 2, isb1, semi1)
      s_start(i1, rows1, sems1)
      d_start(i1)

      @pl.when(p > 0)
      def _():
        d_wait(i0 - 2)
        d_wait(i0 - 1)

      @pl.when(p < P - 1)
      def _():
        s_wait(i0, rows0, sems0)
        i_wait(i0 + 2, isb0, semi0)
        g_start(isb0, rows0, semg0)
        s_wait(i1, rows1, sems1)
        i_wait(i1 + 2, isb1, semi1)
        g_start(isb1, rows1, semg1)

      return carry

    lax.fori_loop(0, P, body, 0)
    i_wait(NCHUNK - 1, isb0, semi0)
    i_wait(NCHUNK - 1, isb1, semi1)
    s_wait(NCHUNK - 2, rows0, sems0)
    s_wait(NCHUNK - 1, rows1, sems1)
    d_wait(NCHUNK - 2)
    d_wait(NCHUNK - 1)
    plsc.subcore_barrier()

    for kk in range(NCOPY):
      r0 = s * RPT + kk * RB
      pltpu.sync_copy(accum.at[pl.ds(r0, RB)], rows0)
      pltpu.sync_copy(rows0, psum_hbm.at[c, pl.ds(r0, RB)])
    pltpu.sync_copy(dega.at[pl.ds(s * DPT, DPT)], dbuf)
    pltpu.sync_copy(dbuf, dcnt_hbm.at[pl.ds(c * DPAD + s * DPT, DPT)])

  return seg_sum(h, src, dst)


def _dense(h, psum, dT, W1, W2, b2):
  G = 10
  BR = N // G

  def body(h_ref, p_ref, d_ref, w1_ref, w2_ref, b_ref, o_ref):
    hh = h_ref[...]
    ssum = p_ref[0] + p_ref[1]
    deg = d_ref[:, 0:1] + d_ref[:, 1:2]
    cc = ssum / jnp.maximum(deg, 1.0)
    z = (jnp.dot(hh, w1_ref[...], preferred_element_type=jnp.float32)
         + jnp.dot(cc, w2_ref[...], preferred_element_type=jnp.float32)
         + b_ref[...])
    nrm = jnp.sqrt(jnp.sum(z * z, axis=1, keepdims=True))
    o_ref[...] = hh + z / jnp.maximum(nrm, 1e-12)

  return pl.pallas_call(
      body,
      grid=(G,),
      in_specs=[
          pl.BlockSpec((BR, D), lambda i: (i, 0)),
          pl.BlockSpec((NC, BR, D), lambda i: (0, i, 0)),
          pl.BlockSpec((BR, 2), lambda i: (i, 0)),
          pl.BlockSpec((D, D), lambda i: (0, 0)),
          pl.BlockSpec((D, D), lambda i: (0, 0)),
          pl.BlockSpec((1, D), lambda i: (0, 0)),
      ],
      out_specs=pl.BlockSpec((BR, D), lambda i: (i, 0)),
      out_shape=jax.ShapeDtypeStruct((N, D), jnp.float32),
  )(h, psum, dT, W1, W2, b2)


def kernel(h, edge_index, W, b):
  ei = edge_index.astype(jnp.int32)
  pad = EPAD - E
  src = jnp.concatenate([ei[0], jnp.zeros((pad,), jnp.int32)])
  dst = jnp.concatenate([ei[1], jnp.full((pad,), N, jnp.int32)])
  src = src.reshape(NW, NCHUNK, K)
  dst = dst.reshape(NW, NCHUNK, K)
  psum, dcnt = _sc_segment_sum(h, src, dst)
  dT = jnp.transpose(dcnt.reshape(NC, DPAD)[:, :N])
  W1 = W[:D]
  W2 = W[D:]
  b2 = b.reshape(1, D)
  return _dense(h, psum, dT, W1, W2, b2)

# --- scband reference (transcript-rebuilt; emitter-appended) ---
"""Pipeline reference for scband-graph-sage-layer-41128606826591 (READ-ONLY COPY).

The authoritative reference and input builder live on the scoring server;
editing this copy changes nothing except your own understanding.
"""

import jax, jax.numpy as jnp
import numpy as np

N_NODES = 10000
N_EDGES = 320000
D_FEAT = 128


def setup_inputs(seed: int = 0) -> dict:
    key = jax.random.key(seed)
    k_h, k_e, k_w, k_b = jax.random.split(key, 4)
    h = jax.random.normal(k_h, (N_NODES, D_FEAT), dtype=jnp.float32)
    edge_index = jax.random.randint(k_e, (2, N_EDGES), 0, N_NODES, dtype=jnp.int64 if jax.config.read('jax_enable_x64') else jnp.int32)
    # NodeApply linear: in = 2*in_feats, out = out_feats (torch Linear default init approximated)
    bound = 1.0 / np.sqrt(2 * D_FEAT)
    W = jax.random.uniform(k_w, (2 * D_FEAT, D_FEAT), dtype=jnp.float32, minval=-bound, maxval=bound)
    b = jax.random.uniform(k_b, (D_FEAT,), dtype=jnp.float32, minval=-bound, maxval=bound)
    return {"h": h, "edge_index": edge_index, "W": W, "b": b}


def reference(h, edge_index, W, b):
    # GraphSageLayer, aggregator_type='mean', dropout=0.0, activation=None,
    # graph_norm=False, batch_norm=False, residual=True (in_feats == out_feats)
    h_in = h
    src = edge_index[0]
    dst = edge_index[1]
    n = h.shape[0]
    # update_all(copy_src('h' -> 'm'), MeanAggregator): c[v] = mean of h[u] over in-neighbors u
    msg = jnp.take(h, src, axis=0)
    summed = jax.ops.segment_sum(msg, dst, num_segments=n)
    deg = jax.ops.segment_sum(jnp.ones((msg.shape[0],), dtype=h.dtype), dst, num_segments=n)
    c = summed / jnp.maximum(deg, 1.0)[:, None]
    # NodeApply: linear(concat(h, c)), then F.normalize(p=2, dim=1)
    bundle = jnp.concatenate([h, c], axis=1) @ W + b
    norm = jnp.sqrt(jnp.sum(bundle * bundle, axis=1, keepdims=True))
    bundle = bundle / jnp.maximum(norm, 1e-12)
    # residual
    out = h_in + bundle
    return out

if __name__ == "__main__":
    import jax
    _d = setup_inputs()
    print(jax.jit(kernel)(*tuple(_d.values())))

</pallas_src>

<mosaic_0001>
#map = affine_map<(d0, d1) -> (0, 0)>
#map1 = affine_map<(d0, d1) -> (0, 0, 0)>
#map2 = affine_map<(d0, d1) -> (0)>
module attributes {stable_mosaic.version = 14 : i64} {
  func.func @seg_sum(%arg0: i32, %arg1: i32, %arg2: memref<10000x128xf32, #tpu.memory_space<hbm>>, %arg3: memref<32x158x64xi32, #tpu.memory_space<hbm>>, %arg4: memref<32x158x64xi32, #tpu.memory_space<hbm>>, %arg5: memref<2x10240x128xf32, #tpu.memory_space<hbm>>, %arg6: memref<20480xf32, #tpu.memory_space<hbm>>, %arg7: memref<10240x128xf32, #tpu.memory_space<vmem_shared>>, %arg8: memref<10240xf32, #tpu.memory_space<vmem_shared>>, %arg9: memref<640xf32, #tpu.memory_space<vmem>>, %arg10: memref<64xi32, #tpu.memory_space<vmem>>, %arg11: memref<64xi32, #tpu.memory_space<vmem>>, %arg12: memref<158x64xi32, #tpu.memory_space<vmem>>, %arg13: memref<64x128xf32, #tpu.memory_space<vmem>>, %arg14: memref<64x128xf32, #tpu.memory_space<vmem>>, %arg15: memref<64xf32, #tpu.memory_space<vmem>>, %arg16: memref<!tpu.dma_semaphore, #tpu.memory_space<semaphore_mem>>, %arg17: memref<!tpu.dma_semaphore, #tpu.memory_space<semaphore_mem>>, %arg18: memref<!tpu.dma_semaphore, #tpu.memory_space<semaphore_mem>>, %arg19: memref<!tpu.dma_semaphore, #tpu.memory_space<semaphore_mem>>, %arg20: memref<!tpu.dma_semaphore, #tpu.memory_space<semaphore_mem>>, %arg21: memref<!tpu.dma_semaphore, #tpu.memory_space<semaphore_mem>>, %arg22: memref<!tpu.dma_semaphore, #tpu.memory_space<semaphore_mem>>) attributes {dimension_semantics = [#tpu.dimension_semantics<core_parallel>, #tpu.dimension_semantics<subcore_parallel>], iteration_bounds = array<i64: 2, 16>, scalar_prefetch = 0 : i64, scratch_operands = 16 : i64, tpu.core_type = #tpu.core_type<sc_vector_subcore>, window_params = [{transform_indices = #map}, {transform_indices = #map1}, {transform_indices = #map1}, {transform_indices = #map1}, {transform_indices = #map2}]} {
    %mul3A = arith.constant 16 : i32
    %mul3A_0 = arith.muli %arg0, %mul3A : i32
    %add3A = arith.addi %mul3A_0, %arg1 : i32
    %broadcast_in_dim3A = arith.constant 0.000000e+00 : f32
    %broadcast_in_dim3A_1 = vector.broadcast %broadcast_in_dim3A : f32 to vector<16xf32>
    %broadcast_in_dim3A_2 = arith.constant 1.000000e+00 : f32
    %broadcast_in_dim3A_3 = vector.broadcast %broadcast_in_dim3A_2 : f32 to vector<16xf32>
    %scan3A = arith.constant 0 : i32
    %scan3A_4 = arith.constant 0 : i32
    %scan3A_5 = arith.constant 64 : i32
    %scan3A_6 = arith.addi %scan3A_4, %scan3A_5 : i32
    %scan3A_7 = arith.constant 1 : i32
    scf.for %scan3A_209 = %scan3A_4 to %scan3A_6 step %scan3A_7  : i32 {
      %swap3A_210 = arith.index_cast %scan3A_209 : i32 to index
      %swap3A_211 = arith.constant 0 : index
      %swap3A_212 = tpu.vector_load %arg13[%swap3A_210, %swap3A_211] {strides = array<i32>} : memref<64x128xf32, #tpu.memory_space<vmem>>, vector<1x16xf32>,
      %swap3A_213 = vector.shape_cast %swap3A_212 : vector<1x16xf32> to vector<16xf32>
      %swap3A_214 = vector.shape_cast %broadcast_in_dim3A_1 : vector<16xf32> to vector<1x16xf32>
      tpu.vector_store %arg13[%swap3A_210, %swap3A_211], %swap3A_214 {strides = array<i32>} : memref<64x128xf32, #tpu.memory_space<vmem>>, vector<1x16xf32>,
      %swap3A_215 = arith.index_cast %scan3A_209 : i32 to index
      %swap3A_216 = arith.constant 16 : index
      %swap3A_217 = tpu.vector_load %arg13[%swap3A_215, %swap3A_216] {strides = array<i32>} : memref<64x128xf32, #tpu.memory_space<vmem>>, vector<1x16xf32>,
      %swap3A_218 = vector.shape_cast %swap3A_217 : vector<1x16xf32> to vector<16xf32>
      %swap3A_219 = vector.shape_cast %broadcast_in_dim3A_1 : vector<16xf32> to vector<1x16xf32>
      tpu.vector_store %arg13[%swap3A_215, %swap3A_216], %swap3A_219 {strides = array<i32>} : memref<64x128xf32, #tpu.memory_space<vmem>>, vector<1x16xf32>,
      %swap3A_220 = arith.index_cast %scan3A_209 : i32 to index
      %swap3A_221 = arith.constant 32 : index
      %swap3A_222 = tpu.vector_load %arg13[%swap3A_220, %swap3A_221] {strides = array<i32>} : memref<64x128xf32, #tpu.memory_space<vmem>>, vector<1x16xf32>,
      %swap3A_223 = vector.shape_cast %swap3A_222 : vector<1x16xf32> to vector<16xf32>
      %swap3A_224 = vector.shape_cast %broadcast_in_dim3A_1 : vector<16xf32> to vector<1x16xf32>
      tpu.vector_store %arg13[%swap3A_220, %swap3A_221], %swap3A_224 {strides = array<i32>} : memref<64x128xf32, #tpu.memory_space<vmem>>, vector<1x16xf32>,
      %swap3A_225 = arith.index_cast %scan3A_209 : i32 to index
      %swap3A_226 = arith.constant 48 : index
      %swap3A_227 = tpu.vector_load %arg13[%swap3A_225, %swap3A_226] {strides = array<i32>} : memref<64x128xf32, #tpu.memory_space<vmem>>, vector<1x16xf32>,
      %swap3A_228 = vector.shape_cast %swap3A_227 : vector<1x16xf32> to vector<16xf32>
      %swap3A_229 = vector.shape_cast %broadcast_in_dim3A_1 : vector<16xf32> to vector<1x16xf32>
      tpu.vector_store %arg13[%swap3A_225, %swap3A_226], %swap3A_229 {strides = array<i32>} : memref<64x128xf32, #tpu.memory_space<vmem>>, vector<1x16xf32>,
      %swap3A_230 = arith.index_cast %scan3A_209 : i32 to index
      %swap3A_231 = arith.constant 64 : index
      %swap3A_232 = tpu.vector_load %arg13[%swap3A_230, %swap3A_231] {strides = array<i32>} : memref<64x128xf32, #tpu.memory_space<vmem>>, vector<1x16xf32>,
      %swap3A_233 = vector.shape_cast %swap3A_232 : vector<1x16xf32> to vector<16xf32>
      %swap3A_234 = vector.shape_cast %broadcast_in_dim3A_1 : vector<16xf32> to vector<1x16xf32>
      tpu.vector_store %arg13[%swap3A_230, %swap3A_231], %swap3A_234 {strides = array<i32>} : memref<64x128xf32, #tpu.memory_space<vmem>>, vector<1x16xf32>,
      %swap3A_235 = arith.index_cast %scan3A_209 : i32 to index
      %swap3A_236 = arith.constant 80 : index
      %swap3A_237 = tpu.vector_load %arg13[%swap3A_235, %swap3A_236] {strides = array<i32>} : memref<64x128xf32, #tpu.memory_space<vmem>>, vector<1x16xf32>,
      %swap3A_238 = vector.shape_cast %swap3A_237 : vector<1x16xf32> to vector<16xf32>
      %swap3A_239 = vector.shape_cast %broadcast_in_dim3A_1 : vector<16xf32> to vector<1x16xf32>
      tpu.vector_store %arg13[%swap3A_235, %swap3A_236], %swap3A_239 {strides = array<i32>} : memref<64x128xf32, #tpu.memory_space<vmem>>, vector<1x16xf32>,
      %swap3A_240 = arith.index_cast %scan3A_209 : i32 to index
      %swap3A_241 = arith.constant 96 : index
      %swap3A_242 = tpu.vector_load %arg13[%swap3A_240, %swap3A_241] {strides = array<i32>} : memref<64x128xf32, #tpu.memory_space<vmem>>, vector<1x16xf32>,
      %swap3A_243 = vector.shape_cast %swap3A_242 : vector<1x16xf32> to vector<16xf32>
      %swap3A_244 = vector.shape_cast %broadcast_in_dim3A_1 : vector<16xf32> to vector<1x16xf32>
      tpu.vector_store %arg13[%swap3A_240, %swap3A_241], %swap3A_244 {strides = array<i32>} : memref<64x128xf32, #tpu.memory_space<vmem>>, vector<1x16xf32>,
      %swap3A_245 = arith.index_cast %scan3A_209 : i32 to index
      %swap3A_246 = arith.constant 112 : index
      %swap3A_247 = tpu.vector_load %arg13[%swap3A_245, %swap3A_246] {strides = array<i32>} : memref<64x128xf32, #tpu.memory_space<vmem>>, vector<1x16xf32>,
      %swap3A_248 = vector.shape_cast %swap3A_247 : vector<1x16xf32> to vector<16xf32>
      %swap3A_249 = vector.shape_cast %broadcast_in_dim3A_1 : vector<16xf32> to vector<1x16xf32>
      tpu.vector_store %arg13[%swap3A_245, %swap3A_246], %swap3A_249 {strides = array<i32>} : memref<64x128xf32, #tpu.memory_space<vmem>>, vector<1x16xf32>,
    }
    %scan3A_8 = arith.constant 64 : i32
    %scan3A_9 = arith.constant 0 : i32
    %scan3A_10 = arith.constant 0 : i32
    %scan3A_11 = arith.constant 40 : i32
    %scan3A_12 = arith.addi %scan3A_10, %scan3A_11 : i32
    %scan3A_13 = arith.constant 1 : i32
    scf.for %scan3A_209 = %scan3A_10 to %scan3A_12 step %scan3A_13  : i32 {
      %mul3A_210 = arith.constant 16 : i32
      %mul3A_211 = arith.muli %scan3A_209, %mul3A_210 : i32
      %swap3A_212 = arith.index_cast %mul3A_211 : i32 to index
      %swap3A_213 = tpu.vector_load %arg9[%swap3A_212] {strides = array<i32>} : memref<640xf32, #tpu.memory_space<vmem>>, vector<16xf32>,
      %swap3A_214 = vector.shape_cast %swap3A_213 : vector<16xf32> to vector<16xf32>
      %swap3A_215 = vector.shape_cast %broadcast_in_dim3A_1 : vector<16xf32> to vector<16xf32>
      tpu.vector_store %arg9[%swap3A_212], %swap3A_215 {strides = array<i32>} : memref<640xf32, #tpu.memory_space<vmem>>, vector<16xf32>,
    }
    %scan3A_14 = arith.constant 40 : i32
    %swap3A = arith.constant 0 : index
    %swap3A_15 = tpu.vector_load %arg15[%swap3A] {strides = array<i32>} : memref<64xf32, #tpu.memory_space<vmem>>, vector<16xf32>,
    %swap3A_16 = vector.shape_cast %swap3A_15 : vector<16xf32> to vector<16xf32>
    %swap3A_17 = vector.shape_cast %broadcast_in_dim3A_3 : vector<16xf32> to vector<16xf32>
    tpu.vector_store %arg15[%swap3A], %swap3A_17 {strides = array<i32>} : memref<64xf32, #tpu.memory_space<vmem>>, vector<16xf32>,
    %swap3A_18 = arith.constant 16 : index
    %swap3A_19 = tpu.vector_load %arg15[%swap3A_18] {strides = array<i32>} : memref<64xf32, #tpu.memory_space<vmem>>, vector<16xf32>,
    %swap3A_20 = vector.shape_cast %swap3A_19 : vector<16xf32> to vector<16xf32>
    %swap3A_21 = vector.shape_cast %broadcast_in_dim3A_3 : vector<16xf32> to vector<16xf32>
    tpu.vector_store %arg15[%swap3A_18], %swap3A_21 {strides = array<i32>} : memref<64xf32, #tpu.memory_space<vmem>>, vector<16xf32>,
    %swap3A_22 = arith.constant 32 : index
    %swap3A_23 = tpu.vector_load %arg15[%swap3A_22] {strides = array<i32>} : memref<64xf32, #tpu.memory_space<vmem>>, vector<16xf32>,
    %swap3A_24 = vector.shape_cast %swap3A_23 : vector<16xf32> to vector<16xf32>
    %swap3A_25 = vector.shape_cast %broadcast_in_dim3A_3 : vector<16xf32> to vector<16xf32>
    tpu.vector_store %arg15[%swap3A_22], %swap3A_25 {strides = array<i32>} : memref<64xf32, #tpu.memory_space<vmem>>, vector<16xf32>,
    %swap3A_26 = arith.constant 48 : index
    %swap3A_27 = tpu.vector_load %arg15[%swap3A_26] {strides = array<i32>} : memref<64xf32, #tpu.memory_space<vmem>>, vector<16xf32>,
    %swap3A_28 = vector.shape_cast %swap3A_27 : vector<16xf32> to vector<16xf32>
    %swap3A_29 = vector.shape_cast %broadcast_in_dim3A_3 : vector<16xf32> to vector<16xf32>
    tpu.vector_store %arg15[%swap3A_26], %swap3A_29 {strides = array<i32>} : memref<64xf32, #tpu.memory_space<vmem>>, vector<16xf32>,
    "tpu.region"() ({
      %run_scoped3A = tpu.sem_alloc : memref<!tpu.dma_semaphore, #tpu.memory_space<semaphore_mem>>
      %dma_start3A_209 = arith.constant 0 : i32
      %dma_start3A_210 = arith.constant 0 : i32
      %dma_start3A_211 = tpu.memref_slice %arg4[%add3A, %dma_start3A_209, %dma_start3A_210] : memref<32x158x64xi32, #tpu.memory_space<hbm>> -> memref<1x158x64xi32, #tpu.memory_space<hbm>>
      %dma_start3A_212 = tpu.memref_squeeze %dma_start3A_211 : memref<1x158x64xi32, #tpu.memory_space<hbm>> -> memref<158x64xi32, #tpu.memory_space<hbm>>
      %dma_start3A_213 = arith.constant 0 : i32
      %dma_start3A_214 = arith.constant 0 : i32
      %dma_start3A_215 = tpu.memref_slice %arg4[%add3A, %dma_start3A_213, %dma_start3A_214] : memref<32x158x64xi32, #tpu.memory_space<hbm>> -> memref<1x158x64xi32, #tpu.memory_space<hbm>>
      %dma_start3A_216 = tpu.memref_squeeze %dma_start3A_215 : memref<1x158x64xi32, #tpu.memory_space<hbm>> -> memref<158x64xi32, #tpu.memory_space<hbm>>
      tpu.enqueue_dma source(%dma_start3A_216 : memref<158x64xi32, #tpu.memory_space<hbm>>) target(%arg12 : memref<158x64xi32, #tpu.memory_space<vmem>>) target_semaphore(%run_scoped3A : memref<!tpu.dma_semaphore, #tpu.memory_space<semaphore_mem>>)
      %dma_wait3A_217 = arith.constant 0 : i32
      %dma_wait3A_218 = arith.constant 0 : i32
      %dma_wait3A_219 = tpu.memref_slice %arg4[%add3A, %dma_wait3A_217, %dma_wait3A_218] : memref<32x158x64xi32, #tpu.memory_space<hbm>> -> memref<1x158x64xi32, #tpu.memory_space<hbm>>
      %dma_wait3A_220 = tpu.memref_squeeze %dma_wait3A_219 : memref<1x158x64xi32, #tpu.memory_space<hbm>> -> memref<158x64xi32, #tpu.memory_space<hbm>>
      %dma_wait3A_221 = arith.constant 0 : i32
      %dma_wait3A_222 = arith.constant 0 : i32
      %dma_wait3A_223 = tpu.memref_slice %arg4[%add3A, %dma_wait3A_221, %dma_wait3A_222] : memref<32x158x64xi32, #tpu.memory_space<hbm>> -> memref<1x158x64xi32, #tpu.memory_space<hbm>>
      %dma_wait3A_224 = tpu.memref_squeeze %dma_wait3A_223 : memref<1x158x64xi32, #tpu.memory_space<hbm>> -> memref<158x64xi32, #tpu.memory_space<hbm>>
      tpu.wait_dma2 semaphore(%run_scoped3A : memref<!tpu.dma_semaphore, #tpu.memory_space<semaphore_mem>>) src(%dma_wait3A_224 : memref<158x64xi32, #tpu.memory_space<hbm>>) dst(%arg12 : memref<158x64xi32, #tpu.memory_space<vmem>>)
      tpu.yield
    }) : () -> ()
    %mul3A_30 = arith.constant 640 : i32
    %mul3A_31 = arith.muli %arg1, %mul3A_30 : i32
    %add3A_32 = arith.constant 0 : i32
    %add3A_33 = arith.addi %mul3A_31, %add3A_32 : i32
    "tpu.region"() ({
      %run_scoped3A = tpu.sem_alloc : memref<!tpu.dma_semaphore, #tpu.memory_space<semaphore_mem>>
      %dma_start3A_209 = arith.constant 0 : i32
      %dma_start3A_210 = tpu.memref_slice %arg7[%add3A_33, %dma_start3A_209] : memref<10240x128xf32, #tpu.memory_space<vmem_shared>> -> memref<64x128xf32, #tpu.memory_space<vmem_shared>>
      %dma_start3A_211 = arith.constant 0 : i32
      %dma_start3A_212 = tpu.memref_slice %arg7[%add3A_33, %dma_start3A_211] : memref<10240x128xf32, #tpu.memory_space<vmem_shared>> -> memref<64x128xf32, #tpu.memory_space<vmem_shared>>
      tpu.enqueue_dma source(%arg13 : memref<64x128xf32, #tpu.memory_space<vmem>>) target(%dma_start3A_212 : memref<64x128xf32, #tpu.memory_space<vmem_shared>>) target_semaphore(%run_scoped3A : memref<!tpu.dma_semaphore, #tpu.memory_space<semaphore_mem>>)
      %dma_wait3A_213 = arith.constant 0 : i32
      %dma_wait3A_214 = tpu.memref_slice %arg7[%add3A_33, %dma_wait3A_213] : memref<10240x128xf32, #tpu.memory_space<vmem_shared>> -> memref<64x128xf32, #tpu.memory_space<vmem_shared>>
      %dma_wait3A_215 = arith.constant 0 : i32
      %dma_wait3A_216 = tpu.memref_slice %arg7[%add3A_33, %dma_wait3A_215] : memref<10240x128xf32, #tpu.memory_space<vmem_shared>> -> memref<64x128xf32, #tpu.memory_space<vmem_shared>>
      tpu.wait_dma2 semaphore(%run_scoped3A : memref<!tpu.dma_semaphore, #tpu.memory_space<semaphore_mem>>) src(%arg13 : memref<64x128xf32, #tpu.memory_space<vmem>>) dst(%dma_wait3A_216 : memref<64x128xf32, #tpu.memory_space<vmem_shared>>)
      tpu.yield
    }) : () -> ()
    %mul3A_34 = arith.constant 640 : i32
    %mul3A_35 = arith.muli %arg1, %mul3A_34 : i32
    %add3A_36 = arith.constant 64 : i32
    %add3A_37 = arith.addi %mul3A_35, %add3A_36 : i32
    "tpu.region"() ({
      %run_scoped3A = tpu.sem_alloc : memref<!tpu.dma_semaphore, #tpu.memory_space<semaphore_mem>>
      %dma_start3A_209 = arith.constant 0 : i32
      %dma_start3A_210 = tpu.memref_slice %arg7[%add3A_37, %dma_start3A_209] : memref<10240x128xf32, #tpu.memory_space<vmem_shared>> -> memref<64x128xf32, #tpu.memory_space<vmem_shared>>
      %dma_start3A_211 = arith.constant 0 : i32
      %dma_start3A_212 = tpu.memref_slice %arg7[%add3A_37, %dma_start3A_211] : memref<10240x128xf32, #tpu.memory_space<vmem_shared>> -> memref<64x128xf32, #tpu.memory_space<vmem_shared>>
      tpu.enqueue_dma source(%arg13 : memref<64x128xf32, #tpu.memory_space<vmem>>) target(%dma_start3A_212 : memref<64x128xf32, #tpu.memory_space<vmem_shared>>) target_semaphore(%run_scoped3A : memref<!tpu.dma_semaphore, #tpu.memory_space<semaphore_mem>>)
      %dma_wait3A_213 = arith.constant 0 : i32
      %dma_wait3A_214 = tpu.memref_slice %arg7[%add3A_37, %dma_wait3A_213] : memref<10240x128xf32, #tpu.memory_space<vmem_shared>> -> memref<64x128xf32, #tpu.memory_space<vmem_shared>>
      %dma_wait3A_215 = arith.constant 0 : i32
      %dma_wait3A_216 = tpu.memref_slice %arg7[%add3A_37, %dma_wait3A_215] : memref<10240x128xf32, #tpu.memory_space<vmem_shared>> -> memref<64x128xf32, #tpu.memory_space<vmem_shared>>
      tpu.wait_dma2 semaphore(%run_scoped3A : memref<!tpu.dma_semaphore, #tpu.memory_space<semaphore_mem>>) src(%arg13 : memref<64x128xf32, #tpu.memory_space<vmem>>) dst(%dma_wait3A_216 : memref<64x128xf32, #tpu.memory_space<vmem_shared>>)
      tpu.yield
    }) : () -> ()
    %mul3A_38 = arith.constant 640 : i32
    %mul3A_39 = arith.muli %arg1, %mul3A_38 : i32
    %add3A_40 = arith.constant 128 : i32
    %add3A_41 = arith.addi %mul3A_39, %add3A_40 : i32
    "tpu.region"() ({
      %run_scoped3A = tpu.sem_alloc : memref<!tpu.dma_semaphore, #tpu.memory_space<semaphore_mem>>
      %dma_start3A_209 = arith.constant 0 : i32
      %dma_start3A_210 = tpu.memref_slice %arg7[%add3A_41, %dma_start3A_209] : memref<10240x128xf32, #tpu.memory_space<vmem_shared>> -> memref<64x128xf32, #tpu.memory_space<vmem_shared>>
      %dma_start3A_211 = arith.constant 0 : i32
      %dma_start3A_212 = tpu.memref_slice %arg7[%add3A_41, %dma_start3A_211] : memref<10240x128xf32, #tpu.memory_space<vmem_shared>> -> memref<64x128xf32, #tpu.memory_space<vmem_shared>>
      tpu.enqueue_dma source(%arg13 : memref<64x128xf32, #tpu.memory_space<vmem>>) target(%dma_start3A_212 : memref<64x128xf32, #tpu.memory_space<vmem_shared>>) target_semaphore(%run_scoped3A : memref<!tpu.dma_semaphore, #tpu.memory_space<semaphore_mem>>)
      %dma_wait3A_213 = arith.constant 0 : i32
      %dma_wait3A_214 = tpu.memref_slice %arg7[%add3A_41, %dma_wait3A_213] : memref<10240x128xf32, #tpu.memory_space<vmem_shared>> -> memref<64x128xf32, #tpu.memory_space<vmem_shared>>
      %dma_wait3A_215 = arith.constant 0 : i32
      %dma_wait3A_216 = tpu.memref_slice %arg7[%add3A_41, %dma_wait3A_215] : memref<10240x128xf32, #tpu.memory_space<vmem_shared>> -> memref<64x128xf32, #tpu.memory_space<vmem_shared>>
      tpu.wait_dma2 semaphore(%run_scoped3A : memref<!tpu.dma_semaphore, #tpu.memory_space<semaphore_mem>>) src(%arg13 : memref<64x128xf32, #tpu.memory_space<vmem>>) dst(%dma_wait3A_216 : memref<64x128xf32, #tpu.memory_space<vmem_shared>>)
      tpu.yield
    }) : () -> ()
    %mul3A_42 = arith.constant 640 : i32
    %mul3A_43 = arith.muli %arg1, %mul3A_42 : i32
    %add3A_44 = arith.constant 192 : i32
    %add3A_45 = arith.addi %mul3A_43, %add3A_44 : i32
    "tpu.region"() ({
      %run_scoped3A = tpu.sem_alloc : memref<!tpu.dma_semaphore, #tpu.memory_space<semaphore_mem>>
      %dma_start3A_209 = arith.constant 0 : i32
      %dma_start3A_210 = tpu.memref_slice %arg7[%add3A_45, %dma_start3A_209] : memref<10240x128xf32, #tpu.memory_space<vmem_shared>> -> memref<64x128xf32, #tpu.memory_space<vmem_shared>>
      %dma_start3A_211 = arith.constant 0 : i32
      %dma_start3A_212 = tpu.memref_slice %arg7[%add3A_45, %dma_start3A_211] : memref<10240x128xf32, #tpu.memory_space<vmem_shared>> -> memref<64x128xf32, #tpu.memory_space<vmem_shared>>
      tpu.enqueue_dma source(%arg13 : memref<64x128xf32, #tpu.memory_space<vmem>>) target(%dma_start3A_212 : memref<64x128xf32, #tpu.memory_space<vmem_shared>>) target_semaphore(%run_scoped3A : memref<!tpu.dma_semaphore, #tpu.memory_space<semaphore_mem>>)
      %dma_wait3A_213 = arith.constant 0 : i32
      %dma_wait3A_214 = tpu.memref_slice %arg7[%add3A_45, %dma_wait3A_213] : memref<10240x128xf32, #tpu.memory_space<vmem_shared>> -> memref<64x128xf32, #tpu.memory_space<vmem_shared>>
      %dma_wait3A_215 = arith.constant 0 : i32
      %dma_wait3A_216 = tpu.memref_slice %arg7[%add3A_45, %dma_wait3A_215] : memref<10240x128xf32, #tpu.memory_space<vmem_shared>> -> memref<64x128xf32, #tpu.memory_space<vmem_shared>>
      tpu.wait_dma2 semaphore(%run_scoped3A : memref<!tpu.dma_semaphore, #tpu.memory_space<semaphore_mem>>) src(%arg13 : memref<64x128xf32, #tpu.memory_space<vmem>>) dst(%dma_wait3A_216 : memref<64x128xf32, #tpu.memory_space<vmem_shared>>)
      tpu.yield
    }) : () -> ()
    %mul3A_46 = arith.constant 640 : i32
    %mul3A_47 = arith.muli %arg1, %mul3A_46 : i32
    %add3A_48 = arith.constant 256 : i32
    %add3A_49 = arith.addi %mul3A_47, %add3A_48 : i32
    "tpu.region"() ({
      %run_scoped3A = tpu.sem_alloc : memref<!tpu.dma_semaphore, #tpu.memory_space<semaphore_mem>>
      %dma_start3A_209 = arith.constant 0 : i32
      %dma_start3A_210 = tpu.memref_slice %arg7[%add3A_49, %dma_start3A_209] : memref<10240x128xf32, #tpu.memory_space<vmem_shared>> -> memref<64x128xf32, #tpu.memory_space<vmem_shared>>
      %dma_start3A_211 = arith.constant 0 : i32
      %dma_start3A_212 = tpu.memref_slice %arg7[%add3A_49, %dma_start3A_211] : memref<10240x128xf32, #tpu.memory_space<vmem_shared>> -> memref<64x128xf32, #tpu.memory_space<vmem_shared>>
      tpu.enqueue_dma source(%arg13 : memref<64x128xf32, #tpu.memory_space<vmem>>) target(%dma_start3A_212 : memref<64x128xf32, #tpu.memory_space<vmem_shared>>) target_semaphore(%run_scoped3A : memref<!tpu.dma_semaphore, #tpu.memory_space<semaphore_mem>>)
      %dma_wait3A_213 = arith.constant 0 : i32
      %dma_wait3A_214 = tpu.memref_slice %arg7[%add3A_49, %dma_wait3A_213] : memref<10240x128xf32, #tpu.memory_space<vmem_shared>> -> memref<64x128xf32, #tpu.memory_space<vmem_shared>>
      %dma_wait3A_215 = arith.constant 0 : i32
      %dma_wait3A_216 = tpu.memref_slice %arg7[%add3A_49, %dma_wait3A_215] : memref<10240x128xf32, #tpu.memory_space<vmem_shared>> -> memref<64x128xf32, #tpu.memory_space<vmem_shared>>
      tpu.wait_dma2 semaphore(%run_scoped3A : memref<!tpu.dma_semaphore, #tpu.memory_space<semaphore_mem>>) src(%arg13 : memref<64x128xf32, #tpu.memory_space<vmem>>) dst(%dma_wait3A_216 : memref<64x128xf32, #tpu.memory_space<vmem_shared>>)
      tpu.yield
    }) : () -> ()
    %mul3A_50 = arith.constant 640 : i32
    %mul3A_51 = arith.muli %arg1, %mul3A_50 : i32
    %add3A_52 = arith.constant 320 : i32
    %add3A_53 = arith.addi %mul3A_51, %add3A_52 : i32
    "tpu.region"() ({
      %run_scoped3A = tpu.sem_alloc : memref<!tpu.dma_semaphore, #tpu.memory_space<semaphore_mem>>
      %dma_start3A_209 = arith.constant 0 : i32
      %dma_start3A_210 = tpu.memref_slice %arg7[%add3A_53, %dma_start3A_209] : memref<10240x128xf32, #tpu.memory_space<vmem_shared>> -> memref<64x128xf32, #tpu.memory_space<vmem_shared>>
      %dma_start3A_211 = arith.constant 0 : i32
      %dma_start3A_212 = tpu.memref_slice %arg7[%add3A_53, %dma_start3A_211] : memref<10240x128xf32, #tpu.memory_space<vmem_shared>> -> memref<64x128xf32, #tpu.memory_space<vmem_shared>>
      tpu.enqueue_dma source(%arg13 : memref<64x128xf32, #tpu.memory_space<vmem>>) target(%dma_start3A_212 : memref<64x128xf32, #tpu.memory_space<vmem_shared>>) target_semaphore(%run_scoped3A : memref<!tpu.dma_semaphore, #tpu.memory_space<semaphore_mem>>)
      %dma_wait3A_213 = arith.constant 0 : i32
      %dma_wait3A_214 = tpu.memref_slice %arg7[%add3A_53, %dma_wait3A_213] : memref<10240x128xf32, #tpu.memory_space<vmem_shared>> -> memref<64x128xf32, #tpu.memory_space<vmem_shared>>
      %dma_wait3A_215 = arith.constant 0 : i32
      %dma_wait3A_216 = tpu.memref_slice %arg7[%add3A_53, %dma_wait3A_215] : memref<10240x128xf32, #tpu.memory_space<vmem_shared>> -> memref<64x128xf32, #tpu.memory_space<vmem_shared>>
      tpu.wait_dma2 semaphore(%run_scoped3A : memref<!tpu.dma_semaphore, #tpu.memory_space<semaphore_mem>>) src(%arg13 : memref<64x128xf32, #tpu.memory_space<vmem>>) dst(%dma_wait3A_216 : memref<64x128xf32, #tpu.memory_space<vmem_shared>>)
      tpu.yield
    }) : () -> ()
    %mul3A_54 = arith.constant 640 : i32
    %mul3A_55 = arith.muli %arg1, %mul3A_54 : i32
    %add3A_56 = arith.constant 384 : i32
    %add3A_57 = arith.addi %mul3A_55, %add3A_56 : i32
    "tpu.region"() ({
      %run_scoped3A = tpu.sem_alloc : memref<!tpu.dma_semaphore, #tpu.memory_space<semaphore_mem>>
      %dma_start3A_209 = arith.constant 0 : i32
      %dma_start3A_210 = tpu.memref_slice %arg7[%add3A_57, %dma_start3A_209] : memref<10240x128xf32, #tpu.memory_space<vmem_shared>> -> memref<64x128xf32, #tpu.memory_space<vmem_shared>>
      %dma_start3A_211 = arith.constant 0 : i32
      %dma_start3A_212 = tpu.memref_slice %arg7[%add3A_57, %dma_start3A_211] : memref<10240x128xf32, #tpu.memory_space<vmem_shared>> -> memref<64x128xf32, #tpu.memory_space<vmem_shared>>
      tpu.enqueue_dma source(%arg13 : memref<64x128xf32, #tpu.memory_space<vmem>>) target(%dma_start3A_212 : memref<64x128xf32, #tpu.memory_space<vmem_shared>>) target_semaphore(%run_scoped3A : memref<!tpu.dma_semaphore, #tpu.memory_space<semaphore_mem>>)
      %dma_wait3A_213 = arith.constant 0 : i32
      %dma_wait3A_214 = tpu.memref_slice %arg7[%add3A_57, %dma_wait3A_213] : memref<10240x128xf32, #tpu.memory_space<vmem_shared>> -> memref<64x128xf32, #tpu.memory_space<vmem_shared>>
      %dma_wait3A_215 = arith.constant 0 : i32
      %dma_wait3A_216 = tpu.memref_slice %arg7[%add3A_57, %dma_wait3A_215] : memref<10240x128xf32, #tpu.memory_space<vmem_shared>> -> memref<64x128xf32, #tpu.memory_space<vmem_shared>>
      tpu.wait_dma2 semaphore(%run_scoped3A : memref<!tpu.dma_semaphore, #tpu.memory_space<semaphore_mem>>) src(%arg13 : memref<64x128xf32, #tpu.memory_space<vmem>>) dst(%dma_wait3A_216 : memref<64x128xf32, #tpu.memory_space<vmem_shared>>)
      tpu.yield
    }) : () -> ()
    %mul3A_58 = arith.constant 640 : i32
    %mul3A_59 = arith.muli %arg1, %mul3A_58 : i32
    %add3A_60 = arith.constant 448 : i32
    %add3A_61 = arith.addi %mul3A_59, %add3A_60 : i32
    "tpu.region"() ({
      %run_scoped3A = tpu.sem_alloc : memref<!tpu.dma_semaphore, #tpu.memory_space<semaphore_mem>>
      %dma_start3A_209 = arith.constant 0 : i32
      %dma_start3A_210 = tpu.memref_slice %arg7[%add3A_61, %dma_start3A_209] : memref<10240x128xf32, #tpu.memory_space<vmem_shared>> -> memref<64x128xf32, #tpu.memory_space<vmem_shared>>
      %dma_start3A_211 = arith.constant 0 : i32
      %dma_start3A_212 = tpu.memref_slice %arg7[%add3A_61, %dma_start3A_211] : memref<10240x128xf32, #tpu.memory_space<vmem_shared>> -> memref<64x128xf32, #tpu.memory_space<vmem_shared>>
      tpu.enqueue_dma source(%arg13 : memref<64x128xf32, #tpu.memory_space<vmem>>) target(%dma_start3A_212 : memref<64x128xf32, #tpu.memory_space<vmem_shared>>) target_semaphore(%run_scoped3A : memref<!tpu.dma_semaphore, #tpu.memory_space<semaphore_mem>>)
      %dma_wait3A_213 = arith.constant 0 : i32
      %dma_wait3A_214 = tpu.memref_slice %arg7[%add3A_61, %dma_wait3A_213] : memref<10240x128xf32, #tpu.memory_space<vmem_shared>> -> memref<64x128xf32, #tpu.memory_space<vmem_shared>>
      %dma_wait3A_215 = arith.constant 0 : i32
      %dma_wait3A_216 = tpu.memref_slice %arg7[%add3A_61, %dma_wait3A_215] : memref<10240x128xf32, #tpu.memory_space<vmem_shared>> -> memref<64x128xf32, #tpu.memory_space<vmem_shared>>
      tpu.wait_dma2 semaphore(%run_scoped3A : memref<!tpu.dma_semaphore, #tpu.memory_space<semaphore_mem>>) src(%arg13 : memref<64x128xf32, #tpu.memory_space<vmem>>) dst(%dma_wait3A_216 : memref<64x128xf32, #tpu.memory_space<vmem_shared>>)
      tpu.yield
    }) : () -> ()
    %mul3A_62 = arith.constant 640 : i32
    %mul3A_63 = arith.muli %arg1, %mul3A_62 : i32
    %add3A_64 = arith.constant 512 : i32
    %add3A_65 = arith.addi %mul3A_63, %add3A_64 : i32
    "tpu.region"() ({
      %run_scoped3A = tpu.sem_alloc : memref<!tpu.dma_semaphore, #tpu.memory_space<semaphore_mem>>
      %dma_start3A_209 = arith.constant 0 : i32
      %dma_start3A_210 = tpu.memref_slice %arg7[%add3A_65, %dma_start3A_209] : memref<10240x128xf32, #tpu.memory_space<vmem_shared>> -> memref<64x128xf32, #tpu.memory_space<vmem_shared>>
      %dma_start3A_211 = arith.constant 0 : i32
      %dma_start3A_212 = tpu.memref_slice %arg7[%add3A_65, %dma_start3A_211] : memref<10240x128xf32, #tpu.memory_space<vmem_shared>> -> memref<64x128xf32, #tpu.memory_space<vmem_shared>>
      tpu.enqueue_dma source(%arg13 : memref<64x128xf32, #tpu.memory_space<vmem>>) target(%dma_start3A_212 : memref<64x128xf32, #tpu.memory_space<vmem_shared>>) target_semaphore(%run_scoped3A : memref<!tpu.dma_semaphore, #tpu.memory_space<semaphore_mem>>)
      %dma_wait3A_213 = arith.constant 0 : i32
      %dma_wait3A_214 = tpu.memref_slice %arg7[%add3A_65, %dma_wait3A_213] : memref<10240x128xf32, #tpu.memory_space<vmem_shared>> -> memref<64x128xf32, #tpu.memory_space<vmem_shared>>
      %dma_wait3A_215 = arith.constant 0 : i32
      %dma_wait3A_216 = tpu.memref_slice %arg7[%add3A_65, %dma_wait3A_215] : memref<10240x128xf32, #tpu.memory_space<vmem_shared>> -> memref<64x128xf32, #tpu.memory_space<vmem_shared>>
      tpu.wait_dma2 semaphore(%run_scoped3A : memref<!tpu.dma_semaphore, #tpu.memory_space<semaphore_mem>>) src(%arg13 : memref<64x128xf32, #tpu.memory_space<vmem>>) dst(%dma_wait3A_216 : memref<64x128xf32, #tpu.memory_space<vmem_shared>>)
      tpu.yield
    }) : () -> ()
    %mul3A_66 = arith.constant 640 : i32
    %mul3A_67 = arith.muli %arg1, %mul3A_66 : i32
    %add3A_68 = arith.constant 576 : i32
    %add3A_69 = arith.addi %mul3A_67, %add3A_68 : i32
    "tpu.region"() ({
      %run_scoped3A = tpu.sem_alloc : memref<!tpu.dma_semaphore, #tpu.memory_space<semaphore_mem>>
      %dma_start3A_209 = arith.constant 0 : i32
      %dma_start3A_210 = tpu.memref_slice %arg7[%add3A_69, %dma_start3A_209] : memref<10240x128xf32, #tpu.memory_space<vmem_shared>> -> memref<64x128xf32, #tpu.memory_space<vmem_shared>>
      %dma_start3A_211 = arith.constant 0 : i32
      %dma_start3A_212 = tpu.memref_slice %arg7[%add3A_69, %dma_start3A_211] : memref<10240x128xf32, #tpu.memory_space<vmem_shared>> -> memref<64x128xf32, #tpu.memory_space<vmem_shared>>
      tpu.enqueue_dma source(%arg13 : memref<64x128xf32, #tpu.memory_space<vmem>>) target(%dma_start3A_212 : memref<64x128xf32, #tpu.memory_space<vmem_shared>>) target_semaphore(%run_scoped3A : memref<!tpu.dma_semaphore, #tpu.memory_space<semaphore_mem>>)
      %dma_wait3A_213 = arith.constant 0 : i32
      %dma_wait3A_214 = tpu.memref_slice %arg7[%add3A_69, %dma_wait3A_213] : memref<10240x128xf32, #tpu.memory_space<vmem_shared>> -> memref<64x128xf32, #tpu.memory_space<vmem_shared>>
      %dma_wait3A_215 = arith.constant 0 : i32
      %dma_wait3A_216 = tpu.memref_slice %arg7[%add3A_69, %dma_wait3A_215] : memref<10240x128xf32, #tpu.memory_space<vmem_shared>> -> memref<64x128xf32, #tpu.memory_space<vmem_shared>>
      tpu.wait_dma2 semaphore(%run_scoped3A : memref<!tpu.dma_semaphore, #tpu.memory_space<semaphore_mem>>) src(%arg13 : memref<64x128xf32, #tpu.memory_space<vmem>>) dst(%dma_wait3A_216 : memref<64x128xf32, #tpu.memory_space<vmem_shared>>)
      tpu.yield
    }) : () -> ()
    %mul3A_70 = arith.constant 640 : i32
    %mul3A_71 = arith.muli %arg1, %mul3A_70 : i32
    "tpu.region"() ({
      %run_scoped3A = tpu.sem_alloc : memref<!tpu.dma_semaphore, #tpu.memory_space<semaphore_mem>>
      %dma_start3A_209 = tpu.memref_slice %arg8[%mul3A_71] : memref<10240xf32, #tpu.memory_space<vmem_shared>> -> memref<640xf32, #tpu.memory_space<vmem_shared>>
      %dma_start3A_210 = tpu.memref_slice %arg8[%mul3A_71] : memref<10240xf32, #tpu.memory_space<vmem_shared>> -> memref<640xf32, #tpu.memory_space<vmem_shared>>
      tpu.enqueue_dma source(%arg9 : memref<640xf32, #tpu.memory_space<vmem>>) target(%dma_start3A_210 : memref<640xf32, #tpu.memory_space<vmem_shared>>) target_semaphore(%run_scoped3A : memref<!tpu.dma_semaphore, #tpu.memory_space<semaphore_mem>>)
      %dma_wait3A_211 = tpu.memref_slice %arg8[%mul3A_71] : memref<10240xf32, #tpu.memory_space<vmem_shared>> -> memref<640xf32, #tpu.memory_space<vmem_shared>>
      %dma_wait3A_212 = tpu.memref_slice %arg8[%mul3A_71] : memref<10240xf32, #tpu.memory_space<vmem_shared>> -> memref<640xf32, #tpu.memory_space<vmem_shared>>
      tpu.wait_dma2 semaphore(%run_scoped3A : memref<!tpu.dma_semaphore, #tpu.memory_space<semaphore_mem>>) src(%arg9 : memref<640xf32, #tpu.memory_space<vmem>>) dst(%dma_wait3A_212 : memref<640xf32, #tpu.memory_space<vmem_shared>>)
      tpu.yield
    }) : () -> ()
    %min3A = arith.constant 0 : i32
    %min3A_72 = arith.constant 157 : i32
    %min3A_73 = arith.minsi %min3A, %min3A_72 : i32
    %dma_start3A = arith.constant 0 : i32
    %dma_start3A_74 = tpu.memref_slice %arg3[%add3A, %min3A_73, %dma_start3A] : memref<32x158x64xi32, #tpu.memory_space<hbm>> -> memref<1x1x64xi32, #tpu.memory_space<hbm>>
    %dma_start3A_75 = tpu.memref_squeeze %dma_start3A_74 : memref<1x1x64xi32, #tpu.memory_space<hbm>> -> memref<64xi32, #tpu.memory_space<hbm>>
    %dma_start3A_76 = arith.constant 0 : i32
    %dma_start3A_77 = tpu.memref_slice %arg3[%add3A, %min3A_73, %dma_start3A_76] : memref<32x158x64xi32, #tpu.memory_space<hbm>> -> memref<1x1x64xi32, #tpu.memory_space<hbm>>
    %dma_start3A_78 = tpu.memref_squeeze %dma_start3A_77 : memref<1x1x64xi32, #tpu.memory_space<hbm>> -> memref<64xi32, #tpu.memory_space<hbm>>
    tpu.enqueue_dma source(%dma_start3A_78 : memref<64xi32, #tpu.memory_space<hbm>>) target(%arg10 : memref<64xi32, #tpu.memory_space<vmem>>) target_semaphore(%arg16 : memref<!tpu.dma_semaphore, #tpu.memory_space<semaphore_mem>>)
    %min3A_79 = arith.constant 1 : i32
    %min3A_80 = arith.constant 157 : i32
    %min3A_81 = arith.minsi %min3A_79, %min3A_80 : i32
    %dma_start3A_82 = arith.constant 0 : i32
    %dma_start3A_83 = tpu.memref_slice %arg3[%add3A, %min3A_81, %dma_start3A_82] : memref<32x158x64xi32, #tpu.memory_space<hbm>> -> memref<1x1x64xi32, #tpu.memory_space<hbm>>
    %dma_start3A_84 = tpu.memref_squeeze %dma_start3A_83 : memref<1x1x64xi32, #tpu.memory_space<hbm>> -> memref<64xi32, #tpu.memory_space<hbm>>
    %dma_start3A_85 = arith.constant 0 : i32
    %dma_start3A_86 = tpu.memref_slice %arg3[%add3A, %min3A_81, %dma_start3A_85] : memref<32x158x64xi32, #tpu.memory_space<hbm>> -> memref<1x1x64xi32, #tpu.memory_space<hbm>>
    %dma_start3A_87 = tpu.memref_squeeze %dma_start3A_86 : memref<1x1x64xi32, #tpu.memory_space<hbm>> -> memref<64xi32, #tpu.memory_space<hbm>>
    tpu.enqueue_dma source(%dma_start3A_87 : memref<64xi32, #tpu.memory_space<hbm>>) target(%arg11 : memref<64xi32, #tpu.memory_space<vmem>>) target_semaphore(%arg17 : memref<!tpu.dma_semaphore, #tpu.memory_space<semaphore_mem>>)
    %min3A_88 = arith.constant 0 : i32
    %min3A_89 = arith.constant 157 : i32
    %min3A_90 = arith.minsi %min3A_88, %min3A_89 : i32
    %dma_wait3A = arith.constant 0 : i32
    %dma_wait3A_91 = tpu.memref_slice %arg3[%add3A, %min3A_90, %dma_wait3A] : memref<32x158x64xi32, #tpu.memory_space<hbm>> -> memref<1x1x64xi32, #tpu.memory_space<hbm>>
    %dma_wait3A_92 = tpu.memref_squeeze %dma_wait3A_91 : memref<1x1x64xi32, #tpu.memory_space<hbm>> -> memref<64xi32, #tpu.memory_space<hbm>>
    %dma_wait3A_93 = arith.constant 0 : i32
    %dma_wait3A_94 = tpu.memref_slice %arg3[%add3A, %min3A_90, %dma_wait3A_93] : memref<32x158x64xi32, #tpu.memory_space<hbm>> -> memref<1x1x64xi32, #tpu.memory_space<hbm>>
    %dma_wait3A_95 = tpu.memref_squeeze %dma_wait3A_94 : memref<1x1x64xi32, #tpu.memory_space<hbm>> -> memref<64xi32, #tpu.memory_space<hbm>>
    tpu.wait_dma2 semaphore(%arg16 : memref<!tpu.dma_semaphore, #tpu.memory_space<semaphore_mem>>) src(%dma_wait3A_95 : memref<64xi32, #tpu.memory_space<hbm>>) dst(%arg10 : memref<64xi32, #tpu.memory_space<vmem>>)
    %dma_start3A_96 = arith.constant 0 : i32
    %dma_start3A_97 = arith.constant 0 : i32
    %dma_start3A_98 = tpu.memref_slice %arg2[%dma_start3A_96, %dma_start3A_97] : memref<10000x128xf32, #tpu.memory_space<hbm>> -> memref<10000x128xf32, #tpu.memory_space<hbm>>
    tpu.enqueue_indirect_dma source(%dma_start3A_98 : memref<10000x128xf32, #tpu.memory_space<hbm>>) target(%arg13 : memref<64x128xf32, #tpu.memory_space<vmem>>) offsets(%arg10 : memref<64xi32, #tpu.memory_space<vmem>>) semaphore(%arg18 : memref<!tpu.dma_semaphore, #tpu.memory_space<semaphore_mem>>)
    %min3A_99 = arith.constant 1 : i32
    %min3A_100 = arith.constant 157 : i32
    %min3A_101 = arith.minsi %min3A_99, %min3A_100 : i32
    %dma_wait3A_102 = arith.constant 0 : i32
    %dma_wait3A_103 = tpu.memref_slice %arg3[%add3A, %min3A_101, %dma_wait3A_102] : memref<32x158x64xi32, #tpu.memory_space<hbm>> -> memref<1x1x64xi32, #tpu.memory_space<hbm>>
    %dma_wait3A_104 = tpu.memref_squeeze %dma_wait3A_103 : memref<1x1x64xi32, #tpu.memory_space<hbm>> -> memref<64xi32, #tpu.memory_space<hbm>>
    %dma_wait3A_105 = arith.constant 0 : i32
    %dma_wait3A_106 = tpu.memref_slice %arg3[%add3A, %min3A_101, %dma_wait3A_105] : memref<32x158x64xi32, #tpu.memory_space<hbm>> -> memref<1x1x64xi32, #tpu.memory_space<hbm>>
    %dma_wait3A_107 = tpu.memref_squeeze %dma_wait3A_106 : memref<1x1x64xi32, #tpu.memory_space<hbm>> -> memref<64xi32, #tpu.memory_space<hbm>>
    tpu.wait_dma2 semaphore(%arg17 : memref<!tpu.dma_semaphore, #tpu.memory_space<semaphore_mem>>) src(%dma_wait3A_107 : memref<64xi32, #tpu.memory_space<hbm>>) dst(%arg11 : memref<64xi32, #tpu.memory_space<vmem>>)
    %dma_start3A_108 = arith.constant 0 : i32
    %dma_start3A_109 = arith.constant 0 : i32
    %dma_start3A_110 = tpu.memref_slice %arg2[%dma_start3A_108, %dma_start3A_109] : memref<10000x128xf32, #tpu.memory_space<hbm>> -> memref<10000x128xf32, #tpu.memory_space<hbm>>
    tpu.enqueue_indirect_dma source(%dma_start3A_110 : memref<10000x128xf32, #tpu.memory_space<hbm>>) target(%arg14 : memref<64x128xf32, #tpu.memory_space<vmem>>) offsets(%arg11 : memref<64xi32, #tpu.memory_space<vmem>>) semaphore(%arg19 : memref<!tpu.dma_semaphore, #tpu.memory_space<semaphore_mem>>)
    %barrier3A = arith.constant 0 : index
    tpu.barrier barrier_id(%barrier3A)
    %scan3A_111 = arith.constant 0 : i32
    %scan3A_112 = arith.constant 0 : i32
    %scan3A_113 = arith.constant 79 : i32
    %scan3A_114 = arith.addi %scan3A_112, %scan3A_113 : i32
    %scan3A_115 = arith.constant 1 : i32
    scf.for %scan3A_209 = %scan3A_112 to %scan3A_114 step %scan3A_115  : i32 {
      %mul3A_210 = arith.constant 2 : i32
      %mul3A_211 = arith.muli %mul3A_210, %scan3A_209 : i32
      %add3A_212 = arith.constant 1 : i32
      %add3A_213 = arith.addi %mul3A_211, %add3A_212 : i32
      %dma_wait3A_214 = arith.constant 0 : i32
      %dma_wait3A_215 = arith.constant 0 : i32
      %dma_wait3A_216 = tpu.memref_slice %arg2[%dma_wait3A_214, %dma_wait3A_215] : memref<10000x128xf32, #tpu.memory_space<hbm>> -> memref<10000x128xf32, #tpu.memory_space<hbm>>
      tpu.wait_indirect_dma semaphore(%arg18 : memref<!tpu.dma_semaphore, #tpu.memory_space<semaphore_mem>>) src(%dma_wait3A_216 : memref<10000x128xf32, #tpu.memory_space<hbm>>) dst(%arg13 : memref<64x128xf32, #tpu.memory_space<vmem>>)
      %add3A_217 = arith.constant 2 : i32
      %add3A_218 = arith.addi %mul3A_211, %add3A_217 : i32
      %min3A_219 = arith.constant 157 : i32
      %min3A_220 = arith.minsi %add3A_218, %min3A_219 : i32
      %dma_start3A_221 = arith.constant 0 : i32
      %dma_start3A_222 = tpu.memref_slice %arg3[%add3A, %min3A_220, %dma_start3A_221] : memref<32x158x64xi32, #tpu.memory_space<hbm>> -> memref<1x1x64xi32, #tpu.memory_space<hbm>>
      %dma_start3A_223 = tpu.memref_squeeze %dma_start3A_222 : memref<1x1x64xi32, #tpu.memory_space<hbm>> -> memref<64xi32, #tpu.memory_space<hbm>>
      %dma_start3A_224 = arith.constant 0 : i32
      %dma_start3A_225 = tpu.memref_slice %arg3[%add3A, %min3A_220, %dma_start3A_224] : memref<32x158x64xi32, #tpu.memory_space<hbm>> -> memref<1x1x64xi32, #tpu.memory_space<hbm>>
      %dma_start3A_226 = tpu.memref_squeeze %dma_start3A_225 : memref<1x1x64xi32, #tpu.memory_space<hbm>> -> memref<64xi32, #tpu.memory_space<hbm>>
      tpu.enqueue_dma source(%dma_start3A_226 : memref<64xi32, #tpu.memory_space<hbm>>) target(%arg10 : memref<64xi32, #tpu.memory_space<vmem>>) target_semaphore(%arg16 : memref<!tpu.dma_semaphore, #tpu.memory_space<semaphore_mem>>)
      %dma_start3A_227 = arith.constant 0 : i32
      %dma_start3A_228 = tpu.memref_slice %arg12[%mul3A_211, %dma_start3A_227] : memref<158x64xi32, #tpu.memory_space<vmem>> -> memref<1x64xi32, #tpu.memory_space<vmem>>
      %dma_start3A_229 = tpu.memref_squeeze %dma_start3A_228 : memref<1x64xi32, #tpu.memory_space<vmem>> -> memref<64xi32, #tpu.memory_space<vmem>>
      %dma_start3A_230 = arith.constant 0 : i32
      %dma_start3A_231 = arith.constant 0 : i32
      %dma_start3A_232 = tpu.memref_slice %arg7[%dma_start3A_230, %dma_start3A_231] : memref<10240x128xf32, #tpu.memory_space<vmem_shared>> -> memref<10240x128xf32, #tpu.memory_space<vmem_shared>>
      tpu.enqueue_indirect_dma source(%arg13 : memref<64x128xf32, #tpu.memory_space<vmem>>) target(%dma_start3A_232 : memref<10240x128xf32, #tpu.memory_space<vmem_shared>>) offsets(%dma_start3A_229 : memref<64xi32, #tpu.memory_space<vmem>>) semaphore(%arg20 : memref<!tpu.dma_semaphore, #tpu.memory_space<semaphore_mem>>) {add = true}
      %dma_start3A_233 = arith.constant 0 : i32
      %dma_start3A_234 = tpu.memref_slice %arg12[%mul3A_211, %dma_start3A_233] : memref<158x64xi32, #tpu.memory_space<vmem>> -> memref<1x64xi32, #tpu.memory_space<vmem>>
      %dma_start3A_235 = tpu.memref_squeeze %dma_start3A_234 : memref<1x64xi32, #tpu.memory_space<vmem>> -> memref<64xi32, #tpu.memory_space<vmem>>
      %dma_start3A_236 = arith.constant 0 : i32
      %dma_start3A_237 = tpu.memref_slice %arg8[%dma_start3A_236] : memref<10240xf32, #tpu.memory_space<vmem_shared>> -> memref<10240xf32, #tpu.memory_space<vmem_shared>>
      tpu.enqueue_indirect_dma source(%arg15 : memref<64xf32, #tpu.memory_space<vmem>>) target(%dma_start3A_237 : memref<10240xf32, #tpu.memory_space<vmem_shared>>) offsets(%dma_start3A_235 : memref<64xi32, #tpu.memory_space<vmem>>) semaphore(%arg22 : memref<!tpu.dma_semaphore, #tpu.memory_space<semaphore_mem>>) {add = true}
      %dma_wait3A_238 = arith.constant 0 : i32
      %dma_wait3A_239 = arith.constant 0 : i32
      %dma_wait3A_240 = tpu.memref_slice %arg2[%dma_wait3A_238, %dma_wait3A_239] : memref<10000x128xf32, #tpu.memory_space<hbm>> -> memref<10000x128xf32, #tpu.memory_space<hbm>>
      tpu.wait_indirect_dma semaphore(%arg19 : memref<!tpu.dma_semaphore, #tpu.memory_space<semaphore_mem>>) src(%dma_wait3A_240 : memref<10000x128xf32, #tpu.memory_space<hbm>>) dst(%arg14 : memref<64x128xf32, #tpu.memory_space<vmem>>)
      %add3A_241 = arith.constant 2 : i32
      %add3A_242 = arith.addi %add3A_213, %add3A_241 : i32
      %min3A_243 = arith.constant 157 : i32
      %min3A_244 = arith.minsi %add3A_242, %min3A_243 : i32
      %dma_start3A_245 = arith.constant 0 : i32
      %dma_start3A_246 = tpu.memref_slice %arg3[%add3A, %min3A_244, %dma_start3A_245] : memref<32x158x64xi32, #tpu.memory_space<hbm>> -> memref<1x1x64xi32, #tpu.memory_space<hbm>>
      %dma_start3A_247 = tpu.memref_squeeze %dma_start3A_246 : memref<1x1x64xi32, #tpu.memory_space<hbm>> -> memref<64xi32, #tpu.memory_space<hbm>>
      %dma_start3A_248 = arith.constant 0 : i32
      %dma_start3A_249 = tpu.memref_slice %arg3[%add3A, %min3A_244, %dma_start3A_248] : memref<32x158x64xi32, #tpu.memory_space<hbm>> -> memref<1x1x64xi32, #tpu.memory_space<hbm>>
      %dma_start3A_250 = tpu.memref_squeeze %dma_start3A_249 : memref<1x1x64xi32, #tpu.memory_space<hbm>> -> memref<64xi32, #tpu.memory_space<hbm>>
      tpu.enqueue_dma source(%dma_start3A_250 : memref<64xi32, #tpu.memory_space<hbm>>) target(%arg11 : memref<64xi32, #tpu.memory_space<vmem>>) target_semaphore(%arg17 : memref<!tpu.dma_semaphore, #tpu.memory_space<semaphore_mem>>)
      %dma_start3A_251 = arith.constant 0 : i32
      %dma_start3A_252 = tpu.memref_slice %arg12[%add3A_213, %dma_start3A_251] : memref<158x64xi32, #tpu.memory_space<vmem>> -> memref<1x64xi32, #tpu.memory_space<vmem>>
      %dma_start3A_253 = tpu.memref_squeeze %dma_start3A_252 : memref<1x64xi32, #tpu.memory_space<vmem>> -> memref<64xi32, #tpu.memory_space<vmem>>
      %dma_start3A_254 = arith.constant 0 : i32
      %dma_start3A_255 = arith.constant 0 : i32
      %dma_start3A_256 = tpu.memref_slice %arg7[%dma_start3A_254, %dma_start3A_255] : memref<10240x128xf32, #tpu.memory_space<vmem_shared>> -> memref<10240x128xf32, #tpu.memory_space<vmem_shared>>
      tpu.enqueue_indirect_dma source(%arg14 : memref<64x128xf32, #tpu.memory_space<vmem>>) target(%dma_start3A_256 : memref<10240x128xf32, #tpu.memory_space<vmem_shared>>) offsets(%dma_start3A_253 : memref<64xi32, #tpu.memory_space<vmem>>) semaphore(%arg21 : memref<!tpu.dma_semaphore, #tpu.memory_space<semaphore_mem>>) {add = true}
      %dma_start3A_257 = arith.constant 0 : i32
      %dma_start3A_258 = tpu.memref_slice %arg12[%add3A_213, %dma_start3A_257] : memref<158x64xi32, #tpu.memory_space<vmem>> -> memref<1x64xi32, #tpu.memory_space<vmem>>
      %dma_start3A_259 = tpu.memref_squeeze %dma_start3A_258 : memref<1x64xi32, #tpu.memory_space<vmem>> -> memref<64xi32, #tpu.memory_space<vmem>>
      %dma_start3A_260 = arith.constant 0 : i32
      %dma_start3A_261 = tpu.memref_slice %arg8[%dma_start3A_260] : memref<10240xf32, #tpu.memory_space<vmem_shared>> -> memref<10240xf32, #tpu.memory_space<vmem_shared>>
      tpu.enqueue_indirect_dma source(%arg15 : memref<64xf32, #tpu.memory_space<vmem>>) target(%dma_start3A_261 : memref<10240xf32, #tpu.memory_space<vmem_shared>>) offsets(%dma_start3A_259 : memref<64xi32, #tpu.memory_space<vmem>>) semaphore(%arg22 : memref<!tpu.dma_semaphore, #tpu.memory_space<semaphore_mem>>) {add = true}
      %gt3A = arith.constant 0 : i32
      %gt3A_262 = arith.cmpi sgt, %scan3A_209, %gt3A : i32
      %convert_element_type3A = arith.extui %gt3A_262 : i1 to i32
      %cond3A = arith.constant 0 : i32
      %cond3A_263 = arith.cmpi ne, %convert_element_type3A, %cond3A : i32
      scf.if %cond3A_263 {
        %sub3A = arith.constant 2 : i32
        %sub3A_268 = arith.subi %mul3A_211, %sub3A : i32
        %dma_wait3A_269 = arith.constant 0 : i32
        %dma_wait3A_270 = tpu.memref_slice %arg12[%sub3A_268, %dma_wait3A_269] : memref<158x64xi32, #tpu.memory_space<vmem>> -> memref<1x64xi32, #tpu.memory_space<vmem>>
        %dma_wait3A_271 = tpu.memref_squeeze %dma_wait3A_270 : memref<1x64xi32, #tpu.memory_space<vmem>> -> memref<64xi32, #tpu.memory_space<vmem>>
        %dma_wait3A_272 = arith.constant 0 : i32
        %dma_wait3A_273 = tpu.memref_slice %arg8[%dma_wait3A_272] : memref<10240xf32, #tpu.memory_space<vmem_shared>> -> memref<10240xf32, #tpu.memory_space<vmem_shared>>
        tpu.wait_indirect_dma semaphore(%arg22 : memref<!tpu.dma_semaphore, #tpu.memory_space<semaphore_mem>>) src(%arg15 : memref<64xf32, #tpu.memory_space<vmem>>) dst(%dma_wait3A_273 : memref<10240xf32, #tpu.memory_space<vmem_shared>>)
        %sub3A_274 = arith.constant 1 : i32
        %sub3A_275 = arith.subi %mul3A_211, %sub3A_274 : i32
        %dma_wait3A_276 = arith.constant 0 : i32
        %dma_wait3A_277 = tpu.memref_slice %arg12[%sub3A_275, %dma_wait3A_276] : memref<158x64xi32, #tpu.memory_space<vmem>> -> memref<1x64xi32, #tpu.memory_space<vmem>>
        %dma_wait3A_278 = tpu.memref_squeeze %dma_wait3A_277 : memref<1x64xi32, #tpu.memory_space<vmem>> -> memref<64xi32, #tpu.memory_space<vmem>>
        %dma_wait3A_279 = arith.constant 0 : i32
        %dma_wait3A_280 = tpu.memref_slice %arg8[%dma_wait3A_279] : memref<10240xf32, #tpu.memory_space<vmem_shared>> -> memref<10240xf32, #tpu.memory_space<vmem_shared>>
        tpu.wait_indirect_dma semaphore(%arg22 : memref<!tpu.dma_semaphore, #tpu.memory_space<semaphore_mem>>) src(%arg15 : memref<64xf32, #tpu.memory_space<vmem>>) dst(%dma_wait3A_280 : memref<10240xf32, #tpu.memory_space<vmem_shared>>)
      } else {
      }
      %lt3A = arith.constant 78 : i32
      %lt3A_264 = arith.cmpi slt, %scan3A_209, %lt3A : i32
      %convert_element_type3A_265 = arith.extui %lt3A_264 : i1 to i32
      %cond3A_266 = arith.constant 0 : i32
      %cond3A_267 = arith.cmpi ne, %convert_element_type3A_265, %cond3A_266 : i32
      scf.if %cond3A_267 {
        %dma_wait3A_268 = arith.constant 0 : i32
        %dma_wait3A_269 = tpu.memref_slice %arg12[%mul3A_211, %dma_wait3A_268] : memref<158x64xi32, #tpu.memory_space<vmem>> -> memref<1x64xi32, #tpu.memory_space<vmem>>
        %dma_wait3A_270 = tpu.memref_squeeze %dma_wait3A_269 : memref<1x64xi32, #tpu.memory_space<vmem>> -> memref<64xi32, #tpu.memory_space<vmem>>
        %dma_wait3A_271 = arith.constant 0 : i32
        %dma_wait3A_272 = arith.constant 0 : i32
        %dma_wait3A_273 = tpu.memref_slice %arg7[%dma_wait3A_271, %dma_wait3A_272] : memref<10240x128xf32, #tpu.memory_space<vmem_shared>> -> memref<10240x128xf32, #tpu.memory_space<vmem_shared>>
        tpu.wait_indirect_dma semaphore(%arg20 : memref<!tpu.dma_semaphore, #tpu.memory_space<semaphore_mem>>) src(%arg13 : memref<64x128xf32, #tpu.memory_space<vmem>>) dst(%dma_wait3A_273 : memref<10240x128xf32, #tpu.memory_space<vmem_shared>>)
        %add3A_274 = arith.constant 2 : i32
        %add3A_275 = arith.addi %mul3A_211, %add3A_274 : i32
        %min3A_276 = arith.constant 157 : i32
        %min3A_277 = arith.minsi %add3A_275, %min3A_276 : i32
        %dma_wait3A_278 = arith.constant 0 : i32
        %dma_wait3A_279 = tpu.memref_slice %arg3[%add3A, %min3A_277, %dma_wait3A_278] : memref<32x158x64xi32, #tpu.memory_space<hbm>> -> memref<1x1x64xi32, #tpu.memory_space<hbm>>
        %dma_wait3A_280 = tpu.memref_squeeze %dma_wait3A_279 : memref<1x1x64xi32, #tpu.memory_space<hbm>> -> memref<64xi32, #tpu.memory_space<hbm>>
        %dma_wait3A_281 = arith.constant 0 : i32
        %dma_wait3A_282 = tpu.memref_slice %arg3[%add3A, %min3A_277, %dma_wait3A_281] : memref<32x158x64xi32, #tpu.memory_space<hbm>> -> memref<1x1x64xi32, #tpu.memory_space<hbm>>
        %dma_wait3A_283 = tpu.memref_squeeze %dma_wait3A_282 : memref<1x1x64xi32, #tpu.memory_space<hbm>> -> memref<64xi32, #tpu.memory_space<hbm>>
        tpu.wait_dma2 semaphore(%arg16 : memref<!tpu.dma_semaphore, #tpu.memory_space<semaphore_mem>>) src(%dma_wait3A_283 : memref<64xi32, #tpu.memory_space<hbm>>) dst(%arg10 : memref<64xi32, #tpu.memory_space<vmem>>)
        %dma_start3A_284 = arith.constant 0 : i32
        %dma_start3A_285 = arith.constant 0 : i32
        %dma_start3A_286 = tpu.memref_slice %arg2[%dma_start3A_284, %dma_start3A_285] : memref<10000x128xf32, #tpu.memory_space<hbm>> -> memref<10000x128xf32, #tpu.memory_space<hbm>>
        tpu.enqueue_indirect_dma source(%dma_start3A_286 : memref<10000x128xf32, #tpu.memory_space<hbm>>) target(%arg13 : memref<64x128xf32, #tpu.memory_space<vmem>>) offsets(%arg10 : memref<64xi32, #tpu.memory_space<vmem>>) semaphore(%arg18 : memref<!tpu.dma_semaphore, #tpu.memory_space<semaphore_mem>>)
        %dma_wait3A_287 = arith.constant 0 : i32
        %dma_wait3A_288 = tpu.memref_slice %arg12[%add3A_213, %dma_wait3A_287] : memref<158x64xi32, #tpu.memory_space<vmem>> -> memref<1x64xi32, #tpu.memory_space<vmem>>
        %dma_wait3A_289 = tpu.memref_squeeze %dma_wait3A_288 : memref<1x64xi32, #tpu.memory_space<vmem>> -> memref<64xi32, #tpu.memory_space<vmem>>
        %dma_wait3A_290 = arith.constant 0 : i32
        %dma_wait3A_291 = arith.constant 0 : i32
        %dma_wait3A_292 = tpu.memref_slice %arg7[%dma_wait3A_290, %dma_wait3A_291] : memref<10240x128xf32, #tpu.memory_space<vmem_shared>> -> memref<10240x128xf32, #tpu.memory_space<vmem_shared>>
        tpu.wait_indirect_dma semaphore(%arg21 : memref<!tpu.dma_semaphore, #tpu.memory_space<semaphore_mem>>) src(%arg14 : memref<64x128xf32, #tpu.memory_space<vmem>>) dst(%dma_wait3A_292 : memref<10240x128xf32, #tpu.memory_space<vmem_shared>>)
        %add3A_293 = arith.constant 2 : i32
        %add3A_294 = arith.addi %add3A_213, %add3A_293 : i32
        %min3A_295 = arith.constant 157 : i32
        %min3A_296 = arith.minsi %add3A_294, %min3A_295 : i32
        %dma_wait3A_297 = arith.constant 0 : i32
        %dma_wait3A_298 = tpu.memref_slice %arg3[%add3A, %min3A_296, %dma_wait3A_297] : memref<32x158x64xi32, #tpu.memory_space<hbm>> -> memref<1x1x64xi32, #tpu.memory_space<hbm>>
        %dma_wait3A_299 = tpu.memref_squeeze %dma_wait3A_298 : memref<1x1x64xi32, #tpu.memory_space<hbm>> -> memref<64xi32, #tpu.memory_space<hbm>>
        %dma_wait3A_300 = arith.constant 0 : i32
        %dma_wait3A_301 = tpu.memref_slice %arg3[%add3A, %min3A_296, %dma_wait3A_300] : memref<32x158x64xi32, #tpu.memory_space<hbm>> -> memref<1x1x64xi32, #tpu.memory_space<hbm>>
        %dma_wait3A_302 = tpu.memref_squeeze %dma_wait3A_301 : memref<1x1x64xi32, #tpu.memory_space<hbm>> -> memref<64xi32, #tpu.memory_space<hbm>>
        tpu.wait_dma2 semaphore(%arg17 : memref<!tpu.dma_semaphore, #tpu.memory_space<semaphore_mem>>) src(%dma_wait3A_302 : memref<64xi32, #tpu.memory_space<hbm>>) dst(%arg11 : memref<64xi32, #tpu.memory_space<vmem>>)
        %dma_start3A_303 = arith.constant 0 : i32
        %dma_start3A_304 = arith.constant 0 : i32
        %dma_start3A_305 = tpu.memref_slice %arg2[%dma_start3A_303, %dma_start3A_304] : memref<10000x128xf32, #tpu.memory_space<hbm>> -> memref<10000x128xf32, #tpu.memory_space<hbm>>
        tpu.enqueue_indirect_dma source(%dma_start3A_305 : memref<10000x128xf32, #tpu.memory_space<hbm>>) target(%arg14 : memref<64x128xf32, #tpu.memory_space<vmem>>) offsets(%arg11 : memref<64xi32, #tpu.memory_space<vmem>>) semaphore(%arg19 : memref<!tpu.dma_semaphore, #tpu.memory_space<semaphore_mem>>)
      } else {
      }
    }
    %scan3A_116 = arith.constant 79 : i32
    %min3A_117 = arith.constant 157 : i32
    %min3A_118 = arith.constant 157 : i32
    %min3A_119 = arith.minsi %min3A_117, %min3A_118 : i32
    %dma_wait3A_120 = arith.constant 0 : i32
    %dma_wait3A_121 = tpu.memref_slice %arg3[%add3A, %min3A_119, %dma_wait3A_120] : memref<32x158x64xi32, #tpu.memory_space<hbm>> -> memref<1x1x64xi32, #tpu.memory_space<hbm>>
    %dma_wait3A_122 = tpu.memref_squeeze %dma_wait3A_121 : memref<1x1x64xi32, #tpu.memory_space<hbm>> -> memref<64xi32, #tpu.memory_space<hbm>>
    %dma_wait3A_123 = arith.constant 0 : i32
    %dma_wait3A_124 = tpu.memref_slice %arg3[%add3A, %min3A_119, %dma_wait3A_123] : memref<32x158x64xi32, #tpu.memory_space<hbm>> -> memref<1x1x64xi32, #tpu.memory_space<hbm>>
    %dma_wait3A_125 = tpu.memref_squeeze %dma_wait3A_124 : memref<1x1x64xi32, #tpu.memory_space<hbm>> -> memref<64xi32, #tpu.memory_space<hbm>>
    tpu.wait_dma2 semaphore(%arg16 : memref<!tpu.dma_semaphore, #tpu.memory_space<semaphore_mem>>) src(%dma_wait3A_125 : memref<64xi32, #tpu.memory_space<hbm>>) dst(%arg10 : memref<64xi32, #tpu.memory_space<vmem>>)
    %min3A_126 = arith.constant 157 : i32
    %min3A_127 = arith.constant 157 : i32
    %min3A_128 = arith.minsi %min3A_126, %min3A_127 : i32
    %dma_wait3A_129 = arith.constant 0 : i32
    %dma_wait3A_130 = tpu.memref_slice %arg3[%add3A, %min3A_128, %dma_wait3A_129] : memref<32x158x64xi32, #tpu.memory_space<hbm>> -> memref<1x1x64xi32, #tpu.memory_space<hbm>>
    %dma_wait3A_131 = tpu.memref_squeeze %dma_wait3A_130 : memref<1x1x64xi32, #tpu.memory_space<hbm>> -> memref<64xi32, #tpu.memory_space<hbm>>
    %dma_wait3A_132 = arith.constant 0 : i32
    %dma_wait3A_133 = tpu.memref_slice %arg3[%add3A, %min3A_128, %dma_wait3A_132] : memref<32x158x64xi32, #tpu.memory_space<hbm>> -> memref<1x1x64xi32, #tpu.memory_space<hbm>>
    %dma_wait3A_134 = tpu.memref_squeeze %dma_wait3A_133 : memref<1x1x64xi32, #tpu.memory_space<hbm>> -> memref<64xi32, #tpu.memory_space<hbm>>
    tpu.wait_dma2 semaphore(%arg17 : memref<!tpu.dma_semaphore, #tpu.memory_space<semaphore_mem>>) src(%dma_wait3A_134 : memref<64xi32, #tpu.memory_space<hbm>>) dst(%arg11 : memref<64xi32, #tpu.memory_space<vmem>>)
    %dma_wait3A_135 = arith.constant 156 : i32
    %dma_wait3A_136 = arith.constant 0 : i32
    %dma_wait3A_137 = tpu.memref_slice %arg12[%dma_wait3A_135, %dma_wait3A_136] : memref<158x64xi32, #tpu.memory_space<vmem>> -> memref<1x64xi32, #tpu.memory_space<vmem>>
    %dma_wait3A_138 = tpu.memref_squeeze %dma_wait3A_137 : memref<1x64xi32, #tpu.memory_space<vmem>> -> memref<64xi32, #tpu.memory_space<vmem>>
    %dma_wait3A_139 = arith.constant 0 : i32
    %dma_wait3A_140 = arith.constant 0 : i32
    %dma_wait3A_141 = tpu.memref_slice %arg7[%dma_wait3A_139, %dma_wait3A_140] : memref<10240x128xf32, #tpu.memory_space<vmem_shared>> -> memref<10240x128xf32, #tpu.memory_space<vmem_shared>>
    tpu.wait_indirect_dma semaphore(%arg20 : memref<!tpu.dma_semaphore, #tpu.memory_space<semaphore_mem>>) src(%arg13 : memref<64x128xf32, #tpu.memory_space<vmem>>) dst(%dma_wait3A_141 : memref<10240x128xf32, #tpu.memory_space<vmem_shared>>)
    %dma_wait3A_142 = arith.constant 157 : i32
    %dma_wait3A_143 = arith.constant 0 : i32
    %dma_wait3A_144 = tpu.memref_slice %arg12[%dma_wait3A_142, %dma_wait3A_143] : memref<158x64xi32, #tpu.memory_space<vmem>> -> memref<1x64xi32, #tpu.memory_space<vmem>>
    %dma_wait3A_145 = tpu.memref_squeeze %dma_wait3A_144 : memref<1x64xi32, #tpu.memory_space<vmem>> -> memref<64xi32, #tpu.memory_space<vmem>>
    %dma_wait3A_146 = arith.constant 0 : i32
    %dma_wait3A_147 = arith.constant 0 : i32
    %dma_wait3A_148 = tpu.memref_slice %arg7[%dma_wait3A_146, %dma_wait3A_147] : memref<10240x128xf32, #tpu.memory_space<vmem_shared>> -> memref<10240x128xf32, #tpu.memory_space<vmem_shared>>
    tpu.wait_indirect_dma semaphore(%arg21 : memref<!tpu.dma_semaphore, #tpu.memory_space<semaphore_mem>>) src(%arg14 : memref<64x128xf32, #tpu.memory_space<vmem>>) dst(%dma_wait3A_148 : memref<10240x128xf32, #tpu.memory_space<vmem_shared>>)
    %dma_wait3A_149 = arith.constant 156 : i32
    %dma_wait3A_150 = arith.constant 0 : i32
    %dma_wait3A_151 = tpu.memref_slice %arg12[%dma_wait3A_149, %dma_wait3A_150] : memref<158x64xi32, #tpu.memory_space<vmem>> -> memref<1x64xi32, #tpu.memory_space<vmem>>
    %dma_wait3A_152 = tpu.memref_squeeze %dma_wait3A_151 : memref<1x64xi32, #tpu.memory_space<vmem>> -> memref<64xi32, #tpu.memory_space<vmem>>
    %dma_wait3A_153 = arith.constant 0 : i32
    %dma_wait3A_154 = tpu.memref_slice %arg8[%dma_wait3A_153] : memref<10240xf32, #tpu.memory_space<vmem_shared>> -> memref<10240xf32, #tpu.memory_space<vmem_shared>>
    tpu.wait_indirect_dma semaphore(%arg22 : memref<!tpu.dma_semaphore, #tpu.memory_space<semaphore_mem>>) src(%arg15 : memref<64xf32, #tpu.memory_space<vmem>>) dst(%dma_wait3A_154 : memref<10240xf32, #tpu.memory_space<vmem_shared>>)
    %dma_wait3A_155 = arith.constant 157 : i32
    %dma_wait3A_156 = arith.constant 0 : i32
    %dma_wait3A_157 = tpu.memref_slice %arg12[%dma_wait3A_155, %dma_wait3A_156] : memref<158x64xi32, #tpu.memory_space<vmem>> -> memref<1x64xi32, #tpu.memory_space<vmem>>
    %dma_wait3A_158 = tpu.memref_squeeze %dma_wait3A_157 : memref<1x64xi32, #tpu.memory_space<vmem>> -> memref<64xi32, #tpu.memory_space<vmem>>
    %dma_wait3A_159 = arith.constant 0 : i32
    %dma_wait3A_160 = tpu.memref_slice %arg8[%dma_wait3A_159] : memref<10240xf32, #tpu.memory_space<vmem_shared>> -> memref<10240xf32, #tpu.memory_space<vmem_shared>>
    tpu.wait_indirect_dma semaphore(%arg22 : memref<!tpu.dma_semaphore, #tpu.memory_space<semaphore_mem>>) src(%arg15 : memref<64xf32, #tpu.memory_space<vmem>>) dst(%dma_wait3A_160 : memref<10240xf32, #tpu.memory_space<vmem_shared>>)
    %barrier3A_161 = arith.constant 0 : index
    tpu.barrier barrier_id(%barrier3A_161)
    %mul3A_162 = arith.constant 640 : i32
    %mul3A_163 = arith.muli %arg1, %mul3A_162 : i32
    %add3A_164 = arith.constant 0 : i32
    %add3A_165 = arith.addi %mul3A_163, %add3A_164 : i32
    "tpu.region"() ({
      %run_scoped3A = tpu.sem_alloc : memref<!tpu.dma_semaphore, #tpu.memory_space<semaphore_mem>>
      %dma_start3A_209 = arith.constant 0 : i32
      %dma_start3A_210 = tpu.memref_slice %arg7[%add3A_165, %dma_start3A_209] : memref<10240x128xf32, #tpu.memory_space<vmem_shared>> -> memref<64x128xf32, #tpu.memory_space<vmem_shared>>
      %dma_start3A_211 = arith.constant 0 : i32
      %dma_start3A_212 = tpu.memref_slice %arg7[%add3A_165, %dma_start3A_211] : memref<10240x128xf32, #tpu.memory_space<vmem_shared>> -> memref<64x128xf32, #tpu.memory_space<vmem_shared>>
      tpu.enqueue_dma source(%dma_start3A_212 : memref<64x128xf32, #tpu.memory_space<vmem_shared>>) target(%arg13 : memref<64x128xf32, #tpu.memory_space<vmem>>) target_semaphore(%run_scoped3A : memref<!tpu.dma_semaphore, #tpu.memory_space<semaphore_mem>>)
      %dma_wait3A_213 = arith.constant 0 : i32
      %dma_wait3A_214 = tpu.memref_slice %arg7[%add3A_165, %dma_wait3A_213] : memref<10240x128xf32, #tpu.memory_space<vmem_shared>> -> memref<64x128xf32, #tpu.memory_space<vmem_shared>>
      %dma_wait3A_215 = arith.constant 0 : i32
      %dma_wait3A_216 = tpu.memref_slice %arg7[%add3A_165, %dma_wait3A_215] : memref<10240x128xf32, #tpu.memory_space<vmem_shared>> -> memref<64x128xf32, #tpu.memory_space<vmem_shared>>
      tpu.wait_dma2 semaphore(%run_scoped3A : memref<!tpu.dma_semaphore, #tpu.memory_space<semaphore_mem>>) src(%dma_wait3A_216 : memref<64x128xf32, #tpu.memory_space<vmem_shared>>) dst(%arg13 : memref<64x128xf32, #tpu.memory_space<vmem>>)
      tpu.yield
    }) : () -> ()
    "tpu.region"() ({
      %run_scoped3A = tpu.sem_alloc : memref<!tpu.dma_semaphore, #tpu.memory_space<semaphore_mem>>
      %dma_start3A_209 = arith.constant 0 : i32
      %dma_start3A_210 = tpu.memref_slice %arg5[%arg0, %add3A_165, %dma_start3A_209] : memref<2x10240x128xf32, #tpu.memory_space<hbm>> -> memref<1x64x128xf32, #tpu.memory_space<hbm>>
      %dma_start3A_211 = tpu.memref_squeeze %dma_start3A_210 : memref<1x64x128xf32, #tpu.memory_space<hbm>> -> memref<64x128xf32, #tpu.memory_space<hbm>>
      %dma_start3A_212 = arith.constant 0 : i32
      %dma_start3A_213 = tpu.memref_slice %arg5[%arg0, %add3A_165, %dma_start3A_212] : memref<2x10240x128xf32, #tpu.memory_space<hbm>> -> memref<1x64x128xf32, #tpu.memory_space<hbm>>
      %dma_start3A_214 = tpu.memref_squeeze %dma_start3A_213 : memref<1x64x128xf32, #tpu.memory_space<hbm>> -> memref<64x128xf32, #tpu.memory_space<hbm>>
      tpu.enqueue_dma source(%arg13 : memref<64x128xf32, #tpu.memory_space<vmem>>) target(%dma_start3A_214 : memref<64x128xf32, #tpu.memory_space<hbm>>) target_semaphore(%run_scoped3A : memref<!tpu.dma_semaphore, #tpu.memory_space<semaphore_mem>>)
      %dma_wait3A_215 = arith.constant 0 : i32
      %dma_wait3A_216 = tpu.memref_slice %arg5[%arg0, %add3A_165, %dma_wait3A_215] : memref<2x10240x128xf32, #tpu.memory_space<hbm>> -> memref<1x64x128xf32, #tpu.memory_space<hbm>>
      %dma_wait3A_217 = tpu.memref_squeeze %dma_wait3A_216 : memref<1x64x128xf32, #tpu.memory_space<hbm>> -> memref<64x128xf32, #tpu.memory_space<hbm>>
      %dma_wait3A_218 = arith.constant 0 : i32
      %dma_wait3A_219 = tpu.memref_slice %arg5[%arg0, %add3A_165, %dma_wait3A_218] : memref<2x10240x128xf32, #tpu.memory_space<hbm>> -> memref<1x64x128xf32, #tpu.memory_space<hbm>>
      %dma_wait3A_220 = tpu.memref_squeeze %dma_wait3A_219 : memref<1x64x128xf32, #tpu.memory_space<hbm>> -> memref<64x128xf32, #tpu.memory_space<hbm>>
      tpu.wait_dma2 semaphore(%run_scoped3A : memref<!tpu.dma_semaphore, #tpu.memory_space<semaphore_mem>>) src(%arg13 : memref<64x128xf32, #tpu.memory_space<vmem>>) dst(%dma_wait3A_220 : memref<64x128xf32, #tpu.memory_space<hbm>>)
      tpu.yield
    }) : () -> ()
    %mul3A_166 = arith.constant 640 : i32
    %mul3A_167 = arith.muli %arg1, %mul3A_166 : i32
    %add3A_168 = arith.constant 64 : i32
    %add3A_169 = arith.addi %mul3A_167, %add3A_168 : i32
    "tpu.region"() ({
      %run_scoped3A = tpu.sem_alloc : memref<!tpu.dma_semaphore, #tpu.memory_space<semaphore_mem>>
      %dma_start3A_209 = arith.constant 0 : i32
      %dma_start3A_210 = tpu.memref_slice %arg7[%add3A_169, %dma_start3A_209] : memref<10240x128xf32, #tpu.memory_space<vmem_shared>> -> memref<64x128xf32, #tpu.memory_space<vmem_shared>>
      %dma_start3A_211 = arith.constant 0 : i32
      %dma_start3A_212 = tpu.memref_slice %arg7[%add3A_169, %dma_start3A_211] : memref<10240x128xf32, #tpu.memory_space<vmem_shared>> -> memref<64x128xf32, #tpu.memory_space<vmem_shared>>
      tpu.enqueue_dma source(%dma_start3A_212 : memref<64x128xf32, #tpu.memory_space<vmem_shared>>) target(%arg13 : memref<64x128xf32, #tpu.memory_space<vmem>>) target_semaphore(%run_scoped3A : memref<!tpu.dma_semaphore, #tpu.memory_space<semaphore_mem>>)
      %dma_wait3A_213 = arith.constant 0 : i32
      %dma_wait3A_214 = tpu.memref_slice %arg7[%add3A_169, %dma_wait3A_213] : memref<10240x128xf32, #tpu.memory_space<vmem_shared>> -> memref<64x128xf32, #tpu.memory_space<vmem_shared>>
      %dma_wait3A_215 = arith.constant 0 : i32
      %dma_wait3A_216 = tpu.memref_slice %arg7[%add3A_169, %dma_wait3A_215] : memref<10240x128xf32, #tpu.memory_space<vmem_shared>> -> memref<64x128xf32, #tpu.memory_space<vmem_shared>>
      tpu.wait_dma2 semaphore(%run_scoped3A : memref<!tpu.dma_semaphore, #tpu.memory_space<semaphore_mem>>) src(%dma_wait3A_216 : memref<64x128xf32, #tpu.memory_space<vmem_shared>>) dst(%arg13 : memref<64x128xf32, #tpu.memory_space<vmem>>)
      tpu.yield
    }) : () -> ()
    "tpu.region"() ({
      %run_scoped3A = tpu.sem_alloc : memref<!tpu.dma_semaphore, #tpu.memory_space<semaphore_mem>>
      %dma_start3A_209 = arith.constant 0 : i32
      %dma_start3A_210 = tpu.memref_slice %arg5[%arg0, %add3A_169, %dma_start3A_209] : memref<2x10240x128xf32, #tpu.memory_space<hbm>> -> memref<1x64x128xf32, #tpu.memory_space<hbm>>
      %dma_start3A_211 = tpu.memref_squeeze %dma_start3A_210 : memref<1x64x128xf32, #tpu.memory_space<hbm>> -> memref<64x128xf32, #tpu.memory_space<hbm>>
      %dma_start3A_212 = arith.constant 0 : i32
      %dma_start3A_213 = tpu.memref_slice %arg5[%arg0, %add3A_169, %dma_start3A_212] : memref<2x10240x128xf32, #tpu.memory_space<hbm>> -> memref<1x64x128xf32, #tpu.memory_space<hbm>>
      %dma_start3A_214 = tpu.memref_squeeze %dma_start3A_213 : memref<1x64x128xf32, #tpu.memory_space<hbm>> -> memref<64x128xf32, #tpu.memory_space<hbm>>
      tpu.enqueue_dma source(%arg13 : memref<64x128xf32, #tpu.memory_space<vmem>>) target(%dma_start3A_214 : memref<64x128xf32, #tpu.memory_space<hbm>>) target_semaphore(%run_scoped3A : memref<!tpu.dma_semaphore, #tpu.memory_space<semaphore_mem>>)
      %dma_wait3A_215 = arith.constant 0 : i32
      %dma_wait3A_216 = tpu.memref_slice %arg5[%arg0, %add3A_169, %dma_wait3A_215] : memref<2x10240x128xf32, #tpu.memory_space<hbm>> -> memref<1x64x128xf32, #tpu.memory_space<hbm>>
      %dma_wait3A_217 = tpu.memref_squeeze %dma_wait3A_216 : memref<1x64x128xf32, #tpu.memory_space<hbm>> -> memref<64x128xf32, #tpu.memory_space<hbm>>
      %dma_wait3A_218 = arith.constant 0 : i32
      %dma_wait3A_219 = tpu.memref_slice %arg5[%arg0, %add3A_169, %dma_wait3A_218] : memref<2x10240x128xf32, #tpu.memory_space<hbm>> -> memref<1x64x128xf32, #tpu.memory_space<hbm>>
      %dma_wait3A_220 = tpu.memref_squeeze %dma_wait3A_219 : memref<1x64x128xf32, #tpu.memory_space<hbm>> -> memref<64x128xf32, #tpu.memory_space<hbm>>
      tpu.wait_dma2 semaphore(%run_scoped3A : memref<!tpu.dma_semaphore, #tpu.memory_space<semaphore_mem>>) src(%arg13 : memref<64x128xf32, #tpu.memory_space<vmem>>) dst(%dma_wait3A_220 : memref<64x128xf32, #tpu.memory_space<hbm>>)
      tpu.yield
    }) : () -> ()
    %mul3A_170 = arith.constant 640 : i32
    %mul3A_171 = arith.muli %arg1, %mul3A_170 : i32
    %add3A_172 = arith.constant 128 : i32
    %add3A_173 = arith.addi %mul3A_171, %add3A_172 : i32
    "tpu.region"() ({
      %run_scoped3A = tpu.sem_alloc : memref<!tpu.dma_semaphore, #tpu.memory_space<semaphore_mem>>
      %dma_start3A_209 = arith.constant 0 : i32
      %dma_start3A_210 = tpu.memref_slice %arg7[%add3A_173, %dma_start3A_209] : memref<10240x128xf32, #tpu.memory_space<vmem_shared>> -> memref<64x128xf32, #tpu.memory_space<vmem_shared>>
      %dma_start3A_211 = arith.constant 0 : i32
      %dma_start3A_212 = tpu.memref_slice %arg7[%add3A_173, %dma_start3A_211] : memref<10240x128xf32, #tpu.memory_space<vmem_shared>> -> memref<64x128xf32, #tpu.memory_space<vmem_shared>>
      tpu.enqueue_dma source(%dma_start3A_212 : memref<64x128xf32, #tpu.memory_space<vmem_shared>>) target(%arg13 : memref<64x128xf32, #tpu.memory_space<vmem>>) target_semaphore(%run_scoped3A : memref<!tpu.dma_semaphore, #tpu.memory_space<semaphore_mem>>)
      %dma_wait3A_213 = arith.constant 0 : i32
      %dma_wait3A_214 = tpu.memref_slice %arg7[%add3A_173, %dma_wait3A_213] : memref<10240x128xf32, #tpu.memory_space<vmem_shared>> -> memref<64x128xf32, #tpu.memory_space<vmem_shared>>
      %dma_wait3A_215 = arith.constant 0 : i32
      %dma_wait3A_216 = tpu.memref_slice %arg7[%add3A_173, %dma_wait3A_215] : memref<10240x128xf32, #tpu.memory_space<vmem_shared>> -> memref<64x128xf32, #tpu.memory_space<vmem_shared>>
      tpu.wait_dma2 semaphore(%run_scoped3A : memref<!tpu.dma_semaphore, #tpu.memory_space<semaphore_mem>>) src(%dma_wait3A_216 : memref<64x128xf32, #tpu.memory_space<vmem_shared>>) dst(%arg13 : memref<64x128xf32, #tpu.memory_space<vmem>>)
      tpu.yield
    }) : () -> ()
    "tpu.region"() ({
      %run_scoped3A = tpu.sem_alloc : memref<!tpu.dma_semaphore, #tpu.memory_space<semaphore_mem>>
      %dma_start3A_209 = arith.constant 0 : i32
      %dma_start3A_210 = tpu.memref_slice %arg5[%arg0, %add3A_173, %dma_start3A_209] : memref<2x10240x128xf32, #tpu.memory_space<hbm>> -> memref<1x64x128xf32, #tpu.memory_space<hbm>>
      %dma_start3A_211 = tpu.memref_squeeze %dma_start3A_210 : memref<1x64x128xf32, #tpu.memory_space<hbm>> -> memref<64x128xf32, #tpu.memory_space<hbm>>
      %dma_start3A_212 = arith.constant 0 : i32
      %dma_start3A_213 = tpu.memref_slice %arg5[%arg0, %add3A_173, %dma_start3A_212] : memref<2x10240x128xf32, #tpu.memory_space<hbm>> -> memref<1x64x128xf32, #tpu.memory_space<hbm>>
      %dma_start3A_214 = tpu.memref_squeeze %dma_start3A_213 : memref<1x64x128xf32, #tpu.memory_space<hbm>> -> memref<64x128xf32, #tpu.memory_space<hbm>>
      tpu.enqueue_dma source(%arg13 : memref<64x128xf32, #tpu.memory_space<vmem>>) target(%dma_start3A_214 : memref<64x128xf32, #tpu.memory_space<hbm>>) target_semaphore(%run_scoped3A : memref<!tpu.dma_semaphore, #tpu.memory_space<semaphore_mem>>)
      %dma_wait3A_215 = arith.constant 0 : i32
      %dma_wait3A_216 = tpu.memref_slice %arg5[%arg0, %add3A_173, %dma_wait3A_215] : memref<2x10240x128xf32, #tpu.memory_space<hbm>> -> memref<1x64x128xf32, #tpu.memory_space<hbm>>
      %dma_wait3A_217 = tpu.memref_squeeze %dma_wait3A_216 : memref<1x64x128xf32, #tpu.memory_space<hbm>> -> memref<64x128xf32, #tpu.memory_space<hbm>>
      %dma_wait3A_218 = arith.constant 0 : i32
      %dma_wait3A_219 = tpu.memref_slice %arg5[%arg0, %add3A_173, %dma_wait3A_218] : memref<2x10240x128xf32, #tpu.memory_space<hbm>> -> memref<1x64x128xf32, #tpu.memory_space<hbm>>
      %dma_wait3A_220 = tpu.memref_squeeze %dma_wait3A_219 : memref<1x64x128xf32, #tpu.memory_space<hbm>> -> memref<64x128xf32, #tpu.memory_space<hbm>>
      tpu.wait_dma2 semaphore(%run_scoped3A : memref<!tpu.dma_semaphore, #tpu.memory_space<semaphore_mem>>) src(%arg13 : memref<64x128xf32, #tpu.memory_space<vmem>>) dst(%dma_wait3A_220 : memref<64x128xf32, #tpu.memory_space<hbm>>)
      tpu.yield
    }) : () -> ()
    %mul3A_174 = arith.constant 640 : i32
    %mul3A_175 = arith.muli %arg1, %mul3A_174 : i32
    %add3A_176 = arith.constant 192 : i32
    %add3A_177 = arith.addi %mul3A_175, %add3A_176 : i32
    "tpu.region"() ({
      %run_scoped3A = tpu.sem_alloc : memref<!tpu.dma_semaphore, #tpu.memory_space<semaphore_mem>>
      %dma_start3A_209 = arith.constant 0 : i32
      %dma_start3A_210 = tpu.memref_slice %arg7[%add3A_177, %dma_start3A_209] : memref<10240x128xf32, #tpu.memory_space<vmem_shared>> -> memref<64x128xf32, #tpu.memory_space<vmem_shared>>
      %dma_start3A_211 = arith.constant 0 : i32
      %dma_start3A_212 = tpu.memref_slice %arg7[%add3A_177, %dma_start3A_211] : memref<10240x128xf32, #tpu.memory_space<vmem_shared>> -> memref<64x128xf32, #tpu.memory_space<vmem_shared>>
      tpu.enqueue_dma source(%dma_start3A_212 : memref<64x128xf32, #tpu.memory_space<vmem_shared>>) target(%arg13 : memref<64x128xf32, #tpu.memory_space<vmem>>) target_semaphore(%run_scoped3A : memref<!tpu.dma_semaphore, #tpu.memory_space<semaphore_mem>>)
      %dma_wait3A_213 = arith.constant 0 : i32
      %dma_wait3A_214 = tpu.memref_slice %arg7[%add3A_177, %dma_wait3A_213] : memref<10240x128xf32, #tpu.memory_space<vmem_shared>> -> memref<64x128xf32, #tpu.memory_space<vmem_shared>>
      %dma_wait3A_215 = arith.constant 0 : i32
      %dma_wait3A_216 = tpu.memref_slice %arg7[%add3A_177, %dma_wait3A_215] : memref<10240x128xf32, #tpu.memory_space<vmem_shared>> -> memref<64x128xf32, #tpu.memory_space<vmem_shared>>
      tpu.wait_dma2 semaphore(%run_scoped3A : memref<!tpu.dma_semaphore, #tpu.memory_space<semaphore_mem>>) src(%dma_wait3A_216 : memref<64x128xf32, #tpu.memory_space<vmem_shared>>) dst(%arg13 : memref<64x128xf32, #tpu.memory_space<vmem>>)
      tpu.yield
    }) : () -> ()
    "tpu.region"() ({
      %run_scoped3A = tpu.sem_alloc : memref<!tpu.dma_semaphore, #tpu.memory_space<semaphore_mem>>
      %dma_start3A_209 = arith.constant 0 : i32
      %dma_start3A_210 = tpu.memref_slice %arg5[%arg0, %add3A_177, %dma_start3A_209] : memref<2x10240x128xf32, #tpu.memory_space<hbm>> -> memref<1x64x128xf32, #tpu.memory_space<hbm>>
      %dma_start3A_211 = tpu.memref_squeeze %dma_start3A_210 : memref<1x64x128xf32, #tpu.memory_space<hbm>> -> memref<64x128xf32, #tpu.memory_space<hbm>>
      %dma_start3A_212 = arith.constant 0 : i32
      %dma_start3A_213 = tpu.memref_slice %arg5[%arg0, %add3A_177, %dma_start3A_212] : memref<2x10240x128xf32, #tpu.memory_space<hbm>> -> memref<1x64x128xf32, #tpu.memory_space<hbm>>
      %dma_start3A_214 = tpu.memref_squeeze %dma_start3A_213 : memref<1x64x128xf32, #tpu.memory_space<hbm>> -> memref<64x128xf32, #tpu.memory_space<hbm>>
      tpu.enqueue_dma source(%arg13 : memref<64x128xf32, #tpu.memory_space<vmem>>) target(%dma_start3A_214 : memref<64x128xf32, #tpu.memory_space<hbm>>) target_semaphore(%run_scoped3A : memref<!tpu.dma_semaphore, #tpu.memory_space<semaphore_mem>>)
      %dma_wait3A_215 = arith.constant 0 : i32
      %dma_wait3A_216 = tpu.memref_slice %arg5[%arg0, %add3A_177, %dma_wait3A_215] : memref<2x10240x128xf32, #tpu.memory_space<hbm>> -> memref<1x64x128xf32, #tpu.memory_space<hbm>>
      %dma_wait3A_217 = tpu.memref_squeeze %dma_wait3A_216 : memref<1x64x128xf32, #tpu.memory_space<hbm>> -> memref<64x128xf32, #tpu.memory_space<hbm>>
      %dma_wait3A_218 = arith.constant 0 : i32
      %dma_wait3A_219 = tpu.memref_slice %arg5[%arg0, %add3A_177, %dma_wait3A_218] : memref<2x10240x128xf32, #tpu.memory_space<hbm>> -> memref<1x64x128xf32, #tpu.memory_space<hbm>>
      %dma_wait3A_220 = tpu.memref_squeeze %dma_wait3A_219 : memref<1x64x128xf32, #tpu.memory_space<hbm>> -> memref<64x128xf32, #tpu.memory_space<hbm>>
      tpu.wait_dma2 semaphore(%run_scoped3A : memref<!tpu.dma_semaphore, #tpu.memory_space<semaphore_mem>>) src(%arg13 : memref<64x128xf32, #tpu.memory_space<vmem>>) dst(%dma_wait3A_220 : memref<64x128xf32, #tpu.memory_space<hbm>>)
      tpu.yield
    }) : () -> ()
    %mul3A_178 = arith.constant 640 : i32
    %mul3A_179 = arith.muli %arg1, %mul3A_178 : i32
    %add3A_180 = arith.constant 256 : i32
    %add3A_181 = arith.addi %mul3A_179, %add3A_180 : i32
    "tpu.region"() ({
      %run_scoped3A = tpu.sem_alloc : memref<!tpu.dma_semaphore, #tpu.memory_space<semaphore_mem>>
      %dma_start3A_209 = arith.constant 0 : i32
      %dma_start3A_210 = tpu.memref_slice %arg7[%add3A_181, %dma_start3A_209] : memref<10240x128xf32, #tpu.memory_space<vmem_shared>> -> memref<64x128xf32, #tpu.memory_space<vmem_shared>>
      %dma_start3A_211 = arith.constant 0 : i32
      %dma_start3A_212 = tpu.memref_slice %arg7[%add3A_181, %dma_start3A_211] : memref<10240x128xf32, #tpu.memory_space<vmem_shared>> -> memref<64x128xf32, #tpu.memory_space<vmem_shared>>
      tpu.enqueue_dma source(%dma_start3A_212 : memref<64x128xf32, #tpu.memory_space<vmem_shared>>) target(%arg13 : memref<64x128xf32, #tpu.memory_space<vmem>>) target_semaphore(%run_scoped3A : memref<!tpu.dma_semaphore, #tpu.memory_space<semaphore_mem>>)
      %dma_wait3A_213 = arith.constant 0 : i32
      %dma_wait3A_214 = tpu.memref_slice %arg7[%add3A_181, %dma_wait3A_213] : memref<10240x128xf32, #tpu.memory_space<vmem_shared>> -> memref<64x128xf32, #tpu.memory_space<vmem_shared>>
      %dma_wait3A_215 = arith.constant 0 : i32
      %dma_wait3A_216 = tpu.memref_slice %arg7[%add3A_181, %dma_wait3A_215] : memref<10240x128xf32, #tpu.memory_space<vmem_shared>> -> memref<64x128xf32, #tpu.memory_space<vmem_shared>>
      tpu.wait_dma2 semaphore(%run_scoped3A : memref<!tpu.dma_semaphore, #tpu.memory_space<semaphore_mem>>) src(%dma_wait3A_216 : memref<64x128xf32, #tpu.memory_space<vmem_shared>>) dst(%arg13 : memref<64x128xf32, #tpu.memory_space<vmem>>)
      tpu.yield
    }) : () -> ()
    "tpu.region"() ({
      %run_scoped3A = tpu.sem_alloc : memref<!tpu.dma_semaphore, #tpu.memory_space<semaphore_mem>>
      %dma_start3A_209 = arith.constant 0 : i32
      %dma_start3A_210 = tpu.memref_slice %arg5[%arg0, %add3A_181, %dma_start3A_209] : memref<2x10240x128xf32, #tpu.memory_space<hbm>> -> memref<1x64x128xf32, #tpu.memory_space<hbm>>
      %dma_start3A_211 = tpu.memref_squeeze %dma_start3A_210 : memref<1x64x128xf32, #tpu.memory_space<hbm>> -> memref<64x128xf32, #tpu.memory_space<hbm>>
      %dma_start3A_212 = arith.constant 0 : i32
      %dma_start3A_213 = tpu.memref_slice %arg5[%arg0, %add3A_181, %dma_start3A_212] : memref<2x10240x128xf32, #tpu.memory_space<hbm>> -> memref<1x64x128xf32, #tpu.memory_space<hbm>>
      %dma_start3A_214 = tpu.memref_squeeze %dma_start3A_213 : memref<1x64x128xf32, #tpu.memory_space<hbm>> -> memref<64x128xf32, #tpu.memory_space<hbm>>
      tpu.enqueue_dma source(%arg13 : memref<64x128xf32, #tpu.memory_space<vmem>>) target(%dma_start3A_214 : memref<64x128xf32, #tpu.memory_space<hbm>>) target_semaphore(%run_scoped3A : memref<!tpu.dma_semaphore, #tpu.memory_space<semaphore_mem>>)
      %dma_wait3A_215 = arith.constant 0 : i32
      %dma_wait3A_216 = tpu.memref_slice %arg5[%arg0, %add3A_181, %dma_wait3A_215] : memref<2x10240x128xf32, #tpu.memory_space<hbm>> -> memref<1x64x128xf32, #tpu.memory_space<hbm>>
      %dma_wait3A_217 = tpu.memref_squeeze %dma_wait3A_216 : memref<1x64x128xf32, #tpu.memory_space<hbm>> -> memref<64x128xf32, #tpu.memory_space<hbm>>
      %dma_wait3A_218 = arith.constant 0 : i32
      %dma_wait3A_219 = tpu.memref_slice %arg5[%arg0, %add3A_181, %dma_wait3A_218] : memref<2x10240x128xf32, #tpu.memory_space<hbm>> -> memref<1x64x128xf32, #tpu.memory_space<hbm>>
      %dma_wait3A_220 = tpu.memref_squeeze %dma_wait3A_219 : memref<1x64x128xf32, #tpu.memory_space<hbm>> -> memref<64x128xf32, #tpu.memory_space<hbm>>
      tpu.wait_dma2 semaphore(%run_scoped3A : memref<!tpu.dma_semaphore, #tpu.memory_space<semaphore_mem>>) src(%arg13 : memref<64x128xf32, #tpu.memory_space<vmem>>) dst(%dma_wait3A_220 : memref<64x128xf32, #tpu.memory_space<hbm>>)
      tpu.yield
    }) : () -> ()
    %mul3A_182 = arith.constant 640 : i32
    %mul3A_183 = arith.muli %arg1, %mul3A_182 : i32
    %add3A_184 = arith.constant 320 : i32
    %add3A_185 = arith.addi %mul3A_183, %add3A_184 : i32
    "tpu.region"() ({
      %run_scoped3A = tpu.sem_alloc : memref<!tpu.dma_semaphore, #tpu.memory_space<semaphore_mem>>
      %dma_start3A_209 = arith.constant 0 : i32
      %dma_start3A_210 = tpu.memref_slice %arg7[%add3A_185, %dma_start3A_209] : memref<10240x128xf32, #tpu.memory_space<vmem_shared>> -> memref<64x128xf32, #tpu.memory_space<vmem_shared>>
      %dma_start3A_211 = arith.constant 0 : i32
      %dma_start3A_212 = tpu.memref_slice %arg7[%add3A_185, %dma_start3A_211] : memref<10240x128xf32, #tpu.memory_space<vmem_shared>> -> memref<64x128xf32, #tpu.memory_space<vmem_shared>>
      tpu.enqueue_dma source(%dma_start3A_212 : memref<64x128xf32, #tpu.memory_space<vmem_shared>>) target(%arg13 : memref<64x128xf32, #tpu.memory_space<vmem>>) target_semaphore(%run_scoped3A : memref<!tpu.dma_semaphore, #tpu.memory_space<semaphore_mem>>)
      %dma_wait3A_213 = arith.constant 0 : i32
      %dma_wait3A_214 = tpu.memref_slice %arg7[%add3A_185, %dma_wait3A_213] : memref<10240x128xf32, #tpu.memory_space<vmem_shared>> -> memref<64x128xf32, #tpu.memory_space<vmem_shared>>
      %dma_wait3A_215 = arith.constant 0 : i32
      %dma_wait3A_216 = tpu.memref_slice %arg7[%add3A_185, %dma_wait3A_215] : memref<10240x128xf32, #tpu.memory_space<vmem_shared>> -> memref<64x128xf32, #tpu.memory_space<vmem_shared>>
      tpu.wait_dma2 semaphore(%run_scoped3A : memref<!tpu.dma_semaphore, #tpu.memory_space<semaphore_mem>>) src(%dma_wait3A_216 : memref<64x128xf32, #tpu.memory_space<vmem_shared>>) dst(%arg13 : memref<64x128xf32, #tpu.memory_space<vmem>>)
      tpu.yield
    }) : () -> ()
    "tpu.region"() ({
      %run_scoped3A = tpu.sem_alloc : memref<!tpu.dma_semaphore, #tpu.memory_space<semaphore_mem>>
      %dma_start3A_209 = arith.constant 0 : i32
      %dma_start3A_210 = tpu.memref_slice %arg5[%arg0, %add3A_185, %dma_start3A_209] : memref<2x10240x128xf32, #tpu.memory_space<hbm>> -> memref<1x64x128xf32, #tpu.memory_space<hbm>>
      %dma_start3A_211 = tpu.memref_squeeze %dma_start3A_210 : memref<1x64x128xf32, #tpu.memory_space<hbm>> -> memref<64x128xf32, #tpu.memory_space<hbm>>
      %dma_start3A_212 = arith.constant 0 : i32
      %dma_start3A_213 = tpu.memref_slice %arg5[%arg0, %add3A_185, %dma_start3A_212] : memref<2x10240x128xf32, #tpu.memory_space<hbm>> -> memref<1x64x128xf32, #tpu.memory_space<hbm>>
      %dma_start3A_214 = tpu.memref_squeeze %dma_start3A_213 : memref<1x64x128xf32, #tpu.memory_space<hbm>> -> memref<64x128xf32, #tpu.memory_space<hbm>>
      tpu.enqueue_dma source(%arg13 : memref<64x128xf32, #tpu.memory_space<vmem>>) target(%dma_start3A_214 : memref<64x128xf32, #tpu.memory_space<hbm>>) target_semaphore(%run_scoped3A : memref<!tpu.dma_semaphore, #tpu.memory_space<semaphore_mem>>)
      %dma_wait3A_215 = arith.constant 0 : i32
      %dma_wait3A_216 = tpu.memref_slice %arg5[%arg0, %add3A_185, %dma_wait3A_215] : memref<2x10240x128xf32, #tpu.memory_space<hbm>> -> memref<1x64x128xf32, #tpu.memory_space<hbm>>
      %dma_wait3A_217 = tpu.memref_squeeze %dma_wait3A_216 : memref<1x64x128xf32, #tpu.memory_space<hbm>> -> memref<64x128xf32, #tpu.memory_space<hbm>>
      %dma_wait3A_218 = arith.constant 0 : i32
      %dma_wait3A_219 = tpu.memref_slice %arg5[%arg0, %add3A_185, %dma_wait3A_218] : memref<2x10240x128xf32, #tpu.memory_space<hbm>> -> memref<1x64x128xf32, #tpu.memory_space<hbm>>
      %dma_wait3A_220 = tpu.memref_squeeze %dma_wait3A_219 : memref<1x64x128xf32, #tpu.memory_space<hbm>> -> memref<64x128xf32, #tpu.memory_space<hbm>>
      tpu.wait_dma2 semaphore(%run_scoped3A : memref<!tpu.dma_semaphore, #tpu.memory_space<semaphore_mem>>) src(%arg13 : memref<64x128xf32, #tpu.memory_space<vmem>>) dst(%dma_wait3A_220 : memref<64x128xf32, #tpu.memory_space<hbm>>)
      tpu.yield
    }) : () -> ()
    %mul3A_186 = arith.constant 640 : i32
    %mul3A_187 = arith.muli %arg1, %mul3A_186 : i32
    %add3A_188 = arith.constant 384 : i32
    %add3A_189 = arith.addi %mul3A_187, %add3A_188 : i32
    "tpu.region"() ({
      %run_scoped3A = tpu.sem_alloc : memref<!tpu.dma_semaphore, #tpu.memory_space<semaphore_mem>>
      %dma_start3A_209 = arith.constant 0 : i32
      %dma_start3A_210 = tpu.memref_slice %arg7[%add3A_189, %dma_start3A_209] : memref<10240x128xf32, #tpu.memory_space<vmem_shared>> -> memref<64x128xf32, #tpu.memory_space<vmem_shared>>
      %dma_start3A_211 = arith.constant 0 : i32
      %dma_start3A_212 = tpu.memref_slice %arg7[%add3A_189, %dma_start3A_211] : memref<10240x128xf32, #tpu.memory_space<vmem_shared>> -> memref<64x128xf32, #tpu.memory_space<vmem_shared>>
      tpu.enqueue_dma source(%dma_start3A_212 : memref<64x128xf32, #tpu.memory_space<vmem_shared>>) target(%arg13 : memref<64x128xf32, #tpu.memory_space<vmem>>) target_semaphore(%run_scoped3A : memref<!tpu.dma_semaphore, #tpu.memory_space<semaphore_mem>>)
      %dma_wait3A_213 = arith.constant 0 : i32
      %dma_wait3A_214 = tpu.memref_slice %arg7[%add3A_189, %dma_wait3A_213] : memref<10240x128xf32, #tpu.memory_space<vmem_shared>> -> memref<64x128xf32, #tpu.memory_space<vmem_shared>>
      %dma_wait3A_215 = arith.constant 0 : i32
      %dma_wait3A_216 = tpu.memref_slice %arg7[%add3A_189, %dma_wait3A_215] : memref<10240x128xf32, #tpu.memory_space<vmem_shared>> -> memref<64x128xf32, #tpu.memory_space<vmem_shared>>
      tpu.wait_dma2 semaphore(%run_scoped3A : memref<!tpu.dma_semaphore, #tpu.memory_space<semaphore_mem>>) src(%dma_wait3A_216 : memref<64x128xf32, #tpu.memory_space<vmem_shared>>) dst(%arg13 : memref<64x128xf32, #tpu.memory_space<vmem>>)
      tpu.yield
    }) : () -> ()
    "tpu.region"() ({
      %run_scoped3A = tpu.sem_alloc : memref<!tpu.dma_semaphore, #tpu.memory_space<semaphore_mem>>
      %dma_start3A_209 = arith.constant 0 : i32
      %dma_start3A_210 = tpu.memref_slice %arg5[%arg0, %add3A_189, %dma_start3A_209] : memref<2x10240x128xf32, #tpu.memory_space<hbm>> -> memref<1x64x128xf32, #tpu.memory_space<hbm>>
      %dma_start3A_211 = tpu.memref_squeeze %dma_start3A_210 : memref<1x64x128xf32, #tpu.memory_space<hbm>> -> memref<64x128xf32, #tpu.memory_space<hbm>>
      %dma_start3A_212 = arith.constant 0 : i32
      %dma_start3A_213 = tpu.memref_slice %arg5[%arg0, %add3A_189, %dma_start3A_212] : memref<2x10240x128xf32, #tpu.memory_space<hbm>> -> memref<1x64x128xf32, #tpu.memory_space<hbm>>
      %dma_start3A_214 = tpu.memref_squeeze %dma_start3A_213 : memref<1x64x128xf32, #tpu.memory_space<hbm>> -> memref<64x128xf32, #tpu.memory_space<hbm>>
      tpu.enqueue_dma source(%arg13 : memref<64x128xf32, #tpu.memory_space<vmem>>) target(%dma_start3A_214 : memref<64x128xf32, #tpu.memory_space<hbm>>) target_semaphore(%run_scoped3A : memref<!tpu.dma_semaphore, #tpu.memory_space<semaphore_mem>>)
      %dma_wait3A_215 = arith.constant 0 : i32
      %dma_wait3A_216 = tpu.memref_slice %arg5[%arg0, %add3A_189, %dma_wait3A_215] : memref<2x10240x128xf32, #tpu.memory_space<hbm>> -> memref<1x64x128xf32, #tpu.memory_space<hbm>>
      %dma_wait3A_217 = tpu.memref_squeeze %dma_wait3A_216 : memref<1x64x128xf32, #tpu.memory_space<hbm>> -> memref<64x128xf32, #tpu.memory_space<hbm>>
      %dma_wait3A_218 = arith.constant 0 : i32
      %dma_wait3A_219 = tpu.memref_slice %arg5[%arg0, %add3A_189, %dma_wait3A_218] : memref<2x10240x128xf32, #tpu.memory_space<hbm>> -> memref<1x64x128xf32, #tpu.memory_space<hbm>>
      %dma_wait3A_220 = tpu.memref_squeeze %dma_wait3A_219 : memref<1x64x128xf32, #tpu.memory_space<hbm>> -> memref<64x128xf32, #tpu.memory_space<hbm>>
      tpu.wait_dma2 semaphore(%run_scoped3A : memref<!tpu.dma_semaphore, #tpu.memory_space<semaphore_mem>>) src(%arg13 : memref<64x128xf32, #tpu.memory_space<vmem>>) dst(%dma_wait3A_220 : memref<64x128xf32, #tpu.memory_space<hbm>>)
      tpu.yield
    }) : () -> ()
    %mul3A_190 = arith.constant 640 : i32
    %mul3A_191 = arith.muli %arg1, %mul3A_190 : i32
    %add3A_192 = arith.constant 448 : i32
    %add3A_193 = arith.addi %mul3A_191, %add3A_192 : i32
    "tpu.region"() ({
      %run_scoped3A = tpu.sem_alloc : memref<!tpu.dma_semaphore, #tpu.memory_space<semaphore_mem>>
      %dma_start3A_209 = arith.constant 0 : i32
      %dma_start3A_210 = tpu.memref_slice %arg7[%add3A_193, %dma_start3A_209] : memref<10240x128xf32, #tpu.memory_space<vmem_shared>> -> memref<64x128xf32, #tpu.memory_space<vmem_shared>>
      %dma_start3A_211 = arith.constant 0 : i32
      %dma_start3A_212 = tpu.memref_slice %arg7[%add3A_193, %dma_start3A_211] : memref<10240x128xf32, #tpu.memory_space<vmem_shared>> -> memref<64x128xf32, #tpu.memory_space<vmem_shared>>
      tpu.enqueue_dma source(%dma_start3A_212 : memref<64x128xf32, #tpu.memory_space<vmem_shared>>) target(%arg13 : memref<64x128xf32, #tpu.memory_space<vmem>>) target_semaphore(%run_scoped3A : memref<!tpu.dma_semaphore, #tpu.memory_space<semaphore_mem>>)
      %dma_wait3A_213 = arith.constant 0 : i32
      %dma_wait3A_214 = tpu.memref_slice %arg7[%add3A_193, %dma_wait3A_213] : memref<10240x128xf32, #tpu.memory_space<vmem_shared>> -> memref<64x128xf32, #tpu.memory_space<vmem_shared>>
      %dma_wait3A_215 = arith.constant 0 : i32
      %dma_wait3A_216 = tpu.memref_slice %arg7[%add3A_193, %dma_wait3A_215] : memref<10240x128xf32, #tpu.memory_space<vmem_shared>> -> memref<64x128xf32, #tpu.memory_space<vmem_shared>>
      tpu.wait_dma2 semaphore(%run_scoped3A : memref<!tpu.dma_semaphore, #tpu.memory_space<semaphore_mem>>) src(%dma_wait3A_216 : memref<64x128xf32, #tpu.memory_space<vmem_shared>>) dst(%arg13 : memref<64x128xf32, #tpu.memory_space<vmem>>)
      tpu.yield
    }) : () -> ()
    "tpu.region"() ({
      %run_scoped3A = tpu.sem_alloc : memref<!tpu.dma_semaphore, #tpu.memory_space<semaphore_mem>>
      %dma_start3A_209 = arith.constant 0 : i32
      %dma_start3A_210 = tpu.memref_slice %arg5[%arg0, %add3A_193, %dma_start3A_209] : memref<2x10240x128xf32, #tpu.memory_space<hbm>> -> memref<1x64x128xf32, #tpu.memory_space<hbm>>
      %dma_start3A_211 = tpu.memref_squeeze %dma_start3A_210 : memref<1x64x128xf32, #tpu.memory_space<hbm>> -> memref<64x128xf32, #tpu.memory_space<hbm>>
      %dma_start3A_212 = arith.constant 0 : i32
      %dma_start3A_213 = tpu.memref_slice %arg5[%arg0, %add3A_193, %dma_start3A_212] : memref<2x10240x128xf32, #tpu.memory_space<hbm>> -> memref<1x64x128xf32, #tpu.memory_space<hbm>>
      %dma_start3A_214 = tpu.memref_squeeze %dma_start3A_213 : memref<1x64x128xf32, #tpu.memory_space<hbm>> -> memref<64x128xf32, #tpu.memory_space<hbm>>
      tpu.enqueue_dma source(%arg13 : memref<64x128xf32, #tpu.memory_space<vmem>>) target(%dma_start3A_214 : memref<64x128xf32, #tpu.memory_space<hbm>>) target_semaphore(%run_scoped3A : memref<!tpu.dma_semaphore, #tpu.memory_space<semaphore_mem>>)
      %dma_wait3A_215 = arith.constant 0 : i32
      %dma_wait3A_216 = tpu.memref_slice %arg5[%arg0, %add3A_193, %dma_wait3A_215] : memref<2x10240x128xf32, #tpu.memory_space<hbm>> -> memref<1x64x128xf32, #tpu.memory_space<hbm>>
      %dma_wait3A_217 = tpu.memref_squeeze %dma_wait3A_216 : memref<1x64x128xf32, #tpu.memory_space<hbm>> -> memref<64x128xf32, #tpu.memory_space<hbm>>
      %dma_wait3A_218 = arith.constant 0 : i32
      %dma_wait3A_219 = tpu.memref_slice %arg5[%arg0, %add3A_193, %dma_wait3A_218] : memref<2x10240x128xf32, #tpu.memory_space<hbm>> -> memref<1x64x128xf32, #tpu.memory_space<hbm>>
      %dma_wait3A_220 = tpu.memref_squeeze %dma_wait3A_219 : memref<1x64x128xf32, #tpu.memory_space<hbm>> -> memref<64x128xf32, #tpu.memory_space<hbm>>
      tpu.wait_dma2 semaphore(%run_scoped3A : memref<!tpu.dma_semaphore, #tpu.memory_space<semaphore_mem>>) src(%arg13 : memref<64x128xf32, #tpu.memory_space<vmem>>) dst(%dma_wait3A_220 : memref<64x128xf32, #tpu.memory_space<hbm>>)
      tpu.yield
    }) : () -> ()
    %mul3A_194 = arith.constant 640 : i32
    %mul3A_195 = arith.muli %arg1, %mul3A_194 : i32
    %add3A_196 = arith.constant 512 : i32
    %add3A_197 = arith.addi %mul3A_195, %add3A_196 : i32
    "tpu.region"() ({
      %run_scoped3A = tpu.sem_alloc : memref<!tpu.dma_semaphore, #tpu.memory_space<semaphore_mem>>
      %dma_start3A_209 = arith.constant 0 : i32
      %dma_start3A_210 = tpu.memref_slice %arg7[%add3A_197, %dma_start3A_209] : memref<10240x128xf32, #tpu.memory_space<vmem_shared>> -> memref<64x128xf32, #tpu.memory_space<vmem_shared>>
      %dma_start3A_211 = arith.constant 0 : i32
      %dma_start3A_212 = tpu.memref_slice %arg7[%add3A_197, %dma_start3A_211] : memref<10240x128xf32, #tpu.memory_space<vmem_shared>> -> memref<64x128xf32, #tpu.memory_space<vmem_shared>>
      tpu.enqueue_dma source(%dma_start3A_212 : memref<64x128xf32, #tpu.memory_space<vmem_shared>>) target(%arg13 : memref<64x128xf32, #tpu.memory_space<vmem>>) target_semaphore(%run_scoped3A : memref<!tpu.dma_semaphore, #tpu.memory_space<semaphore_mem>>)
      %dma_wait3A_213 = arith.constant 0 : i32
      %dma_wait3A_214 = tpu.memref_slice %arg7[%add3A_197, %dma_wait3A_213] : memref<10240x128xf32, #tpu.memory_space<vmem_shared>> -> memref<64x128xf32, #tpu.memory_space<vmem_shared>>
      %dma_wait3A_215 = arith.constant 0 : i32
      %dma_wait3A_216 = tpu.memref_slice %arg7[%add3A_197, %dma_wait3A_215] : memref<10240x128xf32, #tpu.memory_space<vmem_shared>> -> memref<64x128xf32, #tpu.memory_space<vmem_shared>>
      tpu.wait_dma2 semaphore(%run_scoped3A : memref<!tpu.dma_semaphore, #tpu.memory_space<semaphore_mem>>) src(%dma_wait3A_216 : memref<64x128xf32, #tpu.memory_space<vmem_shared>>) dst(%arg13 : memref<64x128xf32, #tpu.memory_space<vmem>>)
      tpu.yield
    }) : () -> ()
    "tpu.region"() ({
      %run_scoped3A = tpu.sem_alloc : memref<!tpu.dma_semaphore, #tpu.memory_space<semaphore_mem>>
      %dma_start3A_209 = arith.constant 0 : i32
      %dma_start3A_210 = tpu.memref_slice %arg5[%arg0, %add3A_197, %dma_start3A_209] : memref<2x10240x128xf32, #tpu.memory_space<hbm>> -> memref<1x64x128xf32, #tpu.memory_space<hbm>>
      %dma_start3A_211 = tpu.memref_squeeze %dma_start3A_210 : memref<1x64x128xf32, #tpu.memory_space<hbm>> -> memref<64x128xf32, #tpu.memory_space<hbm>>
      %dma_start3A_212 = arith.constant 0 : i32
      %dma_start3A_213 = tpu.memref_slice %arg5[%arg0, %add3A_197, %dma_start3A_212] : memref<2x10240x128xf32, #tpu.memory_space<hbm>> -> memref<1x64x128xf32, #tpu.memory_space<hbm>>
      %dma_start3A_214 = tpu.memref_squeeze %dma_start3A_213 : memref<1x64x128xf32, #tpu.memory_space<hbm>> -> memref<64x128xf32, #tpu.memory_space<hbm>>
      tpu.enqueue_dma source(%arg13 : memref<64x128xf32, #tpu.memory_space<vmem>>) target(%dma_start3A_214 : memref<64x128xf32, #tpu.memory_space<hbm>>) target_semaphore(%run_scoped3A : memref<!tpu.dma_semaphore, #tpu.memory_space<semaphore_mem>>)
      %dma_wait3A_215 = arith.constant 0 : i32
      %dma_wait3A_216 = tpu.memref_slice %arg5[%arg0, %add3A_197, %dma_wait3A_215] : memref<2x10240x128xf32, #tpu.memory_space<hbm>> -> memref<1x64x128xf32, #tpu.memory_space<hbm>>
      %dma_wait3A_217 = tpu.memref_squeeze %dma_wait3A_216 : memref<1x64x128xf32, #tpu.memory_space<hbm>> -> memref<64x128xf32, #tpu.memory_space<hbm>>
      %dma_wait3A_218 = arith.constant 0 : i32
      %dma_wait3A_219 = tpu.memref_slice %arg5[%arg0, %add3A_197, %dma_wait3A_218] : memref<2x10240x128xf32, #tpu.memory_space<hbm>> -> memref<1x64x128xf32, #tpu.memory_space<hbm>>
      %dma_wait3A_220 = tpu.memref_squeeze %dma_wait3A_219 : memref<1x64x128xf32, #tpu.memory_space<hbm>> -> memref<64x128xf32, #tpu.memory_space<hbm>>
      tpu.wait_dma2 semaphore(%run_scoped3A : memref<!tpu.dma_semaphore, #tpu.memory_space<semaphore_mem>>) src(%arg13 : memref<64x128xf32, #tpu.memory_space<vmem>>) dst(%dma_wait3A_220 : memref<64x128xf32, #tpu.memory_space<hbm>>)
      tpu.yield
    }) : () -> ()
    %mul3A_198 = arith.constant 640 : i32
    %mul3A_199 = arith.muli %arg1, %mul3A_198 : i32
    %add3A_200 = arith.constant 576 : i32
    %add3A_201 = arith.addi %mul3A_199, %add3A_200 : i32
    "tpu.region"() ({
      %run_scoped3A = tpu.sem_alloc : memref<!tpu.dma_semaphore, #tpu.memory_space<semaphore_mem>>
      %dma_start3A_209 = arith.constant 0 : i32
      %dma_start3A_210 = tpu.memref_slice %arg7[%add3A_201, %dma_start3A_209] : memref<10240x128xf32, #tpu.memory_space<vmem_shared>> -> memref<64x128xf32, #tpu.memory_space<vmem_shared>>
      %dma_start3A_211 = arith.constant 0 : i32
      %dma_start3A_212 = tpu.memref_slice %arg7[%add3A_201, %dma_start3A_211] : memref<10240x128xf32, #tpu.memory_space<vmem_shared>> -> memref<64x128xf32, #tpu.memory_space<vmem_shared>>
      tpu.enqueue_dma source(%dma_start3A_212 : memref<64x128xf32, #tpu.memory_space<vmem_shared>>) target(%arg13 : memref<64x128xf32, #tpu.memory_space<vmem>>) target_semaphore(%run_scoped3A : memref<!tpu.dma_semaphore, #tpu.memory_space<semaphore_mem>>)
      %dma_wait3A_213 = arith.constant 0 : i32
      %dma_wait3A_214 = tpu.memref_slice %arg7[%add3A_201, %dma_wait3A_213] : memref<10240x128xf32, #tpu.memory_space<vmem_shared>> -> memref<64x128xf32, #tpu.memory_space<vmem_shared>>
      %dma_wait3A_215 = arith.constant 0 : i32
      %dma_wait3A_216 = tpu.memref_slice %arg7[%add3A_201, %dma_wait3A_215] : memref<10240x128xf32, #tpu.memory_space<vmem_shared>> -> memref<64x128xf32, #tpu.memory_space<vmem_shared>>
      tpu.wait_dma2 semaphore(%run_scoped3A : memref<!tpu.dma_semaphore, #tpu.memory_space<semaphore_mem>>) src(%dma_wait3A_216 : memref<64x128xf32, #tpu.memory_space<vmem_shared>>) dst(%arg13 : memref<64x128xf32, #tpu.memory_space<vmem>>)
      tpu.yield
    }) : () -> ()
    "tpu.region"() ({
      %run_scoped3A = tpu.sem_alloc : memref<!tpu.dma_semaphore, #tpu.memory_space<semaphore_mem>>
      %dma_start3A_209 = arith.constant 0 : i32
      %dma_start3A_210 = tpu.memref_slice %arg5[%arg0, %add3A_201, %dma_start3A_209] : memref<2x10240x128xf32, #tpu.memory_space<hbm>> -> memref<1x64x128xf32, #tpu.memory_space<hbm>>
      %dma_start3A_211 = tpu.memref_squeeze %dma_start3A_210 : memref<1x64x128xf32, #tpu.memory_space<hbm>> -> memref<64x128xf32, #tpu.memory_space<hbm>>
      %dma_start3A_212 = arith.constant 0 : i32
      %dma_start3A_213 = tpu.memref_slice %arg5[%arg0, %add3A_201, %dma_start3A_212] : memref<2x10240x128xf32, #tpu.memory_space<hbm>> -> memref<1x64x128xf32, #tpu.memory_space<hbm>>
      %dma_start3A_214 = tpu.memref_squeeze %dma_start3A_213 : memref<1x64x128xf32, #tpu.memory_space<hbm>> -> memref<64x128xf32, #tpu.memory_space<hbm>>
      tpu.enqueue_dma source(%arg13 : memref<64x128xf32, #tpu.memory_space<vmem>>) target(%dma_start3A_214 : memref<64x128xf32, #tpu.memory_space<hbm>>) target_semaphore(%run_scoped3A : memref<!tpu.dma_semaphore, #tpu.memory_space<semaphore_mem>>)
      %dma_wait3A_215 = arith.constant 0 : i32
      %dma_wait3A_216 = tpu.memref_slice %arg5[%arg0, %add3A_201, %dma_wait3A_215] : memref<2x10240x128xf32, #tpu.memory_space<hbm>> -> memref<1x64x128xf32, #tpu.memory_space<hbm>>
      %dma_wait3A_217 = tpu.memref_squeeze %dma_wait3A_216 : memref<1x64x128xf32, #tpu.memory_space<hbm>> -> memref<64x128xf32, #tpu.memory_space<hbm>>
      %dma_wait3A_218 = arith.constant 0 : i32
      %dma_wait3A_219 = tpu.memref_slice %arg5[%arg0, %add3A_201, %dma_wait3A_218] : memref<2x10240x128xf32, #tpu.memory_space<hbm>> -> memref<1x64x128xf32, #tpu.memory_space<hbm>>
      %dma_wait3A_220 = tpu.memref_squeeze %dma_wait3A_219 : memref<1x64x128xf32, #tpu.memory_space<hbm>> -> memref<64x128xf32, #tpu.memory_space<hbm>>
      tpu.wait_dma2 semaphore(%run_scoped3A : memref<!tpu.dma_semaphore, #tpu.memory_space<semaphore_mem>>) src(%arg13 : memref<64x128xf32, #tpu.memory_space<vmem>>) dst(%dma_wait3A_220 : memref<64x128xf32, #tpu.memory_space<hbm>>)
      tpu.yield
    }) : () -> ()
    %mul3A_202 = arith.constant 640 : i32
    %mul3A_203 = arith.muli %arg1, %mul3A_202 : i32
    "tpu.region"() ({
      %run_scoped3A = tpu.sem_alloc : memref<!tpu.dma_semaphore, #tpu.memory_space<semaphore_mem>>
      %dma_start3A_209 = tpu.memref_slice %arg8[%mul3A_203] : memref<10240xf32, #tpu.memory_space<vmem_shared>> -> memref<640xf32, #tpu.memory_space<vmem_shared>>
      %dma_start3A_210 = tpu.memref_slice %arg8[%mul3A_203] : memref<10240xf32, #tpu.memory_space<vmem_shared>> -> memref<640xf32, #tpu.memory_space<vmem_shared>>
      tpu.enqueue_dma source(%dma_start3A_210 : memref<640xf32, #tpu.memory_space<vmem_shared>>) target(%arg9 : memref<640xf32, #tpu.memory_space<vmem>>) target_semaphore(%run_scoped3A : memref<!tpu.dma_semaphore, #tpu.memory_space<semaphore_mem>>)
      %dma_wait3A_211 = tpu.memref_slice %arg8[%mul3A_203] : memref<10240xf32, #tpu.memory_space<vmem_shared>> -> memref<640xf32, #tpu.memory_space<vmem_shared>>
      %dma_wait3A_212 = tpu.memref_slice %arg8[%mul3A_203] : memref<10240xf32, #tpu.memory_space<vmem_shared>> -> memref<640xf32, #tpu.memory_space<vmem_shared>>
      tpu.wait_dma2 semaphore(%run_scoped3A : memref<!tpu.dma_semaphore, #tpu.memory_space<semaphore_mem>>) src(%dma_wait3A_212 : memref<640xf32, #tpu.memory_space<vmem_shared>>) dst(%arg9 : memref<640xf32, #tpu.memory_space<vmem>>)
      tpu.yield
    }) : () -> ()
    %mul3A_204 = arith.constant 10240 : i32
    %mul3A_205 = arith.muli %arg0, %mul3A_204 : i32
    %mul3A_206 = arith.constant 640 : i32
    %mul3A_207 = arith.muli %arg1, %mul3A_206 : i32
    %add3A_208 = arith.addi %mul3A_205, %mul3A_207 : i32
    "tpu.region"() ({
      %run_scoped3A = tpu.sem_alloc : memref<!tpu.dma_semaphore, #tpu.memory_space<semaphore_mem>>
      %dma_start3A_209 = tpu.memref_slice %arg6[%add3A_208] : memref<20480xf32, #tpu.memory_space<hbm>> -> memref<640xf32, #tpu.memory_space<hbm>>
      %dma_start3A_210 = tpu.memref_slice %arg6[%add3A_208] : memref<20480xf32, #tpu.memory_space<hbm>> -> memref<640xf32, #tpu.memory_space<hbm>>
      tpu.enqueue_dma source(%arg9 : memref<640xf32, #tpu.memory_space<vmem>>) target(%dma_start3A_210 : memref<640xf32, #tpu.memory_space<hbm>>) target_semaphore(%run_scoped3A : memref<!tpu.dma_semaphore, #tpu.memory_space<semaphore_mem>>)
      %dma_wait3A_211 = tpu.memref_slice %arg6[%add3A_208] : memref<20480xf32, #tpu.memory_space<hbm>> -> memref<640xf32, #tpu.memory_space<hbm>>
      %dma_wait3A_212 = tpu.memref_slice %arg6[%add3A_208] : memref<20480xf32, #tpu.memory_space<hbm>> -> memref<640xf32, #tpu.memory_space<hbm>>
      tpu.wait_dma2 semaphore(%run_scoped3A : memref<!tpu.dma_semaphore, #tpu.memory_space<semaphore_mem>>) src(%arg9 : memref<640xf32, #tpu.memory_space<vmem>>) dst(%dma_wait3A_212 : memref<640xf32, #tpu.memory_space<hbm>>)
      tpu.yield
    }) : () -> ()
    return
  }
}

module attributes {stable_mosaic.version = 14 : i64} {
  func.func @body(%arg0: i32, %arg1: memref<1000x128xf32, #tpu.memory_space<vmem>>, %arg2: memref<2x1000x128xf32, #tpu.memory_space<vmem>>, %arg3: memref<1000x2xf32, #tpu.memory_space<vmem>>, %arg4: memref<128x128xf32, #tpu.memory_space<vmem>>, %arg5: memref<128x128xf32, #tpu.memory_space<vmem>>, %arg6: memref<1x128xf32, #tpu.memory_space<vmem>>, %arg7: memref<1000x128xf32, #tpu.memory_space<vmem>>) attributes {dimension_semantics = [#tpu.dimension_semantics<arbitrary>], iteration_bounds = array<i64: 10>, scalar_prefetch = 0 : i64, scratch_operands = 0 : i64, tpu.core_type = #tpu.core_type<tc>, window_params = [{transform_indices = @transform_0, window_bounds = array<i64: 1000, 128>}, {transform_indices = @transform_1, window_bounds = array<i64: 2, 1000, 128>}, {transform_indices = @transform_2, window_bounds = array<i64: 1000, 2>}, {pipeline_mode = #tpu.pipeline_mode<synchronous>, transform_indices = @transform_3, window_bounds = array<i64: 128, 128>}, {pipeline_mode = #tpu.pipeline_mode<synchronous>, transform_indices = @transform_4, window_bounds = array<i64: 128, 128>}, {pipeline_mode = #tpu.pipeline_mode<synchronous>, transform_indices = @transform_5, window_bounds = array<i64: 1, 128>}, {transform_indices = @transform_6, window_bounds = array<i64: 1000, 128>}]} {
    %get3A = arith.constant 0 : index
    %get3A_0 = arith.constant 0 : index
    %get3A_1 = vector.load %arg1[%get3A, %get3A_0] : memref<1000x128xf32, #tpu.memory_space<vmem>>, vector<1000x128xf32>
    %get3A_2 = arith.constant 0 : index
    %get3A_3 = arith.constant 0 : index
    %get3A_4 = arith.constant 0 : index
    %get3A_5 = vector.load %arg2[%get3A_2, %get3A_3, %get3A_4] : memref<2x1000x128xf32, #tpu.memory_space<vmem>>, vector<1x1000x128xf32>
    %get3A_6 = vector.shape_cast %get3A_5 : vector<1x1000x128xf32> to vector<1000x128xf32>
    %get3A_7 = arith.constant 1 : index
    %get3A_8 = arith.constant 0 : index
    %get3A_9 = arith.constant 0 : index
    %get3A_10 = vector.load %arg2[%get3A_7, %get3A_8, %get3A_9] : memref<2x1000x128xf32, #tpu.memory_space<vmem>>, vector<1x1000x128xf32>
    %get3A_11 = vector.shape_cast %get3A_10 : vector<1x1000x128xf32> to vector<1000x128xf32>
    %add3A = arith.addf %get3A_6, %get3A_11 : vector<1000x128xf32>
    %get3A_12 = arith.constant 0 : index
    %get3A_13 = arith.constant 0 : index
    %get3A_14 = vector.load %arg3[%get3A_12, %get3A_13] : memref<1000x2xf32, #tpu.memory_space<vmem>>, vector<1000x1xf32>
    %get3A_15 = arith.constant 0 : index
    %get3A_16 = arith.constant 1 : index
    %get3A_17 = vector.load %arg3[%get3A_15, %get3A_16] : memref<1000x2xf32, #tpu.memory_space<vmem>>, vector<1000x1xf32>
    %add3A_18 = arith.addf %get3A_14, %get3A_17 : vector<1000x1xf32>
    %max3A = arith.constant 1.000000e+00 : f32
    %max3A_19 = vector.broadcast %max3A : f32 to vector<1000x1xf32>
    %max3A_20 = arith.maximumf %add3A_18, %max3A_19 : vector<1000x1xf32>
    %div3A = vector.broadcast %max3A_20 : vector<1000x1xf32> to vector<1000x128xf32>
    %div3A_21 = arith.divf %add3A, %div3A : vector<1000x128xf32>
    %get3A_22 = arith.constant 0 : index
    %get3A_23 = arith.constant 0 : index
    %get3A_24 = vector.load %arg4[%get3A_22, %get3A_23] : memref<128x128xf32, #tpu.memory_space<vmem>>, vector<128x128xf32>
    %dot_general3A = arith.constant dense<0.000000e+00> : vector<1000x128xf32>
    %dot_general3A_25 = tpu.matmul %get3A_1, %get3A_24, %dot_general3A {dimension_numbers = #tpu.dot_dimension_numbers<[1], [0], [0], [1], [0, 0, 1, 1], [], []>, transpose_lhs_hint = false} : vector<1000x128xf32>, vector<128x128xf32>, vector<1000x128xf32> -> vector<1000x128xf32>
    %get3A_26 = arith.constant 0 : index
    %get3A_27 = arith.constant 0 : index
    %get3A_28 = vector.load %arg5[%get3A_26, %get3A_27] : memref<128x128xf32, #tpu.memory_space<vmem>>, vector<128x128xf32>
    %dot_general3A_29 = arith.constant dense<0.000000e+00> : vector<1000x128xf32>
    %dot_general3A_30 = tpu.matmul %div3A_21, %get3A_28, %dot_general3A_29 {dimension_numbers = #tpu.dot_dimension_numbers<[1], [0], [0], [1], [0, 0, 1, 1], [], []>, transpose_lhs_hint = false} : vector<1000x128xf32>, vector<128x128xf32>, vector<1000x128xf32> -> vector<1000x128xf32>
    %add3A_31 = arith.addf %dot_general3A_25, %dot_general3A_30 : vector<1000x128xf32>
    %get3A_32 = arith.constant 0 : index
    %get3A_33 = arith.constant 0 : index
    %get3A_34 = vector.load %arg6[%get3A_32, %get3A_33] : memref<1x128xf32, #tpu.memory_space<vmem>>, vector<1x128xf32>
    %add3A_35 = vector.broadcast %get3A_34 : vector<1x128xf32> to vector<1000x128xf32>
    %add3A_36 = arith.addf %add3A_31, %add3A_35 : vector<1000x128xf32>
    %mul3A = arith.mulf %add3A_36, %add3A_36 : vector<1000x128xf32>
    %reduce_sum3A = arith.constant dense<0.000000e+00> : vector<1000xf32>
    %reduce_sum3A_37 = vector.multi_reduction <add>, %mul3A, %reduce_sum3A [1] : vector<1000x128xf32> to vector<1000xf32>
    %broadcast_in_dim3A = vector.shape_cast %reduce_sum3A_37 : vector<1000xf32> to vector<1000x1xf32>
    %sqrt3A = math.sqrt %broadcast_in_dim3A : vector<1000x1xf32>
    %max3A_38 = arith.constant 9.99999996E-13 : f32
    %max3A_39 = vector.broadcast %max3A_38 : f32 to vector<1000x1xf32>
    %max3A_40 = arith.maximumf %sqrt3A, %max3A_39 : vector<1000x1xf32>
    %div3A_41 = vector.broadcast %max3A_40 : vector<1000x1xf32> to vector<1000x128xf32>
    %div3A_42 = arith.divf %add3A_36, %div3A_41 : vector<1000x128xf32>
    %add3A_43 = arith.addf %get3A_1, %div3A_42 : vector<1000x128xf32>
    %swap3A = arith.constant 0 : index
    %swap3A_44 = arith.constant 0 : index
    %swap3A_45 = vector.load %arg7[%swap3A, %swap3A_44] : memref<1000x128xf32, #tpu.memory_space<vmem>>, vector<1000x128xf32>
    tpu.vector_store %arg7[%swap3A, %swap3A_44], %add3A_43 {strides = array<i32>} : memref<1000x128xf32, #tpu.memory_space<vmem>>, vector<1000x128xf32>,
    return
  }
  func.func @transform_0(%arg0: i32) -> (i32, i32) {
    %c0_i32 = arith.constant 0 : i32
    %c0_i32_0 = arith.constant 0 : i32
    return %arg0, %c0_i32 : i32, i32
  }
  func.func @transform_1(%arg0: i32) -> (i32, i32, i32) {
    %c0_i32 = arith.constant 0 : i32
    %c0_i32_0 = arith.constant 0 : i32
    %c0_i32_1 = arith.constant 0 : i32
    return %c0_i32, %arg0, %c0_i32_0 : i32, i32, i32
  }
  func.func @transform_2(%arg0: i32) -> (i32, i32) {
    %c0_i32 = arith.constant 0 : i32
    %c0_i32_0 = arith.constant 0 : i32
    return %arg0, %c0_i32 : i32, i32
  }
  func.func @transform_3(%arg0: i32) -> (i32, i32) {
    %c0_i32 = arith.constant 0 : i32
    %c0_i32_0 = arith.constant 0 : i32
    %c0_i32_1 = arith.constant 0 : i32
    return %c0_i32, %c0_i32_0 : i32, i32
  }
  func.func @transform_4(%arg0: i32) -> (i32, i32) {
    %c0_i32 = arith.constant 0 : i32
    %c0_i32_0 = arith.constant 0 : i32
    %c0_i32_1 = arith.constant 0 : i32
    return %c0_i32, %c0_i32_0 : i32, i32
  }
  func.func @transform_5(%arg0: i32) -> (i32, i32) {
    %c0_i32 = arith.constant 0 : i32
    %c0_i32_0 = arith.constant 0 : i32
    %c0_i32_1 = arith.constant 0 : i32
    return %c0_i32, %c0_i32_0 : i32, i32
  }
  func.func @transform_6(%arg0: i32) -> (i32, i32) {
    %c0_i32 = arith.constant 0 : i32
    %c0_i32_0 = arith.constant 0 : i32
    return %arg0, %c0_i32 : i32, i32
  }
}

</mosaic_0001>

<sc_bundles>
// kernel: kernel.4.cloned.1.call-start
scs
__scs_entry_jumppad:
0x0: {  	(pc) =	sbr.rel $0x88, $3  }
0x1: {  	(tag) =	ssettag $0x0;
	lr =	simm.s32 $0x1  }
0x2: {  	[smem:$0x3F9D] =	sst lr;
	_ =	strace $0xD0000000  }
0x3: {  	_ = 	snop  }
0x4: {  	_ = 	snop  }
0x5: {  	_ = 	snop  }
0x6: {  	_ = 	snop  }
0x7: {  	_ = 	snop  }
__scs_overlays_trampoline_lowered:
0x8: {  	[smem:$0x3FAC] =	sst s0  }
0x9: {  	[smem:$0x3FAD] =	sst s1  }
0xa: {  	[smem:$0x3FAE] =	sst s2  }
0xb: {  	[smem:$0x3FAF] =	sst s3  }
0xc: {  	[smem:$0x3FB0] =	sst s4  }
0xd: {  	[smem:$0x3FB1] =	sst s5  }
0xe: {  	[smem:$0x3FB2] =	sst s6  }
0xf: {  	[smem:$0x3FB3] =	sst s7  }
0x10: {  	[smem:$0x3FB4] =	sst s8  }
0x11: {  	[smem:$0x3FB5] =	sst s9;
	s0 =	simm.s32 @!p0 $0x0  }
0x12: {  	s1 =	sld [smem:$0x3F9B];
	s0 =	simm.s32 @p0 $0x1  }
0x13: {  	[smem:$0x3FB6] =	sst s0;
	s0 =	simm.s32 @!p1 $0x0  }
0x14: {  	s2 =	sld [smem:$0x3F9A];
	s0 =	simm.s32 @p1 $0x1  }
0x15: {  	[smem:$0x3FB7] =	sst s0;
	s0 =	simm.s32 @!p2 $0x0  }
0x16: {  	s3 =	sld [smem:$0x3FDB];
	s0 =	simm.s32 @p2 $0x1  }
0x17: {  	s4 =	simm.s32 $0x1BF5;
	[smem:$0x3FB9] =	sst s0  }
0x18: {  	s0 =	sld [smem:$0x3F9C];
	_ =	swait.ge [sflag:s4], $0x0  }
0x19: {  	s7 =	sld [smem:$0x3F9D]  }
0x1a: {  	s8 =	sadd.s32 $0xFFFFE003, lr  }
0x1b: {  	s9 =	sadd.s32 $0xFFFFFEF7, lr;
	s5 =	simm.s32 $0xFFFFFFFF;
	p2 =	slt.u32 s8, $0xFFFFF086  }
0x1c: {  	p1 =	slt.u32 s9, $0xF7A;
	s5 =	simm.s32 @!p2 $0x0  }
0x1d: {  	s5 =	simm.s32 @p1 $0x1;
	p0 =	seq.s32 s7, s2  }
0x1e: {  	s7 =	smul.u32 @!p0 $0xF7A, s2;
	p2 =	seq.s32 @!p0 s5, $0x0  }
0x1f: {  	s9 =	smul.u32 $0xF7A, s1;
	s8 =	simm.s32 @!p0 $0x1BF5;
	p2 =	por !p2, p0  }
0x20: {  	[sflag:s8] =	ssyncset.s32 @!p0 $0xFFFFF086;
	s6 =	sadd.s32 @!p0 s3, s7;
	s7 =	simm.s32 @!p0 $0x108  }
0x21: {  	s3 =	sadd.s32 s3, s9;
	s6 =	sadd.s32 @!p0 $0x88, s6;
	s7 =	simm.s32 @p2 $0x1082  }
0x22: {  	[simem:s7], [sflag:s8] =	dma.local @!p0 [hbm:s6], $0xF7A  }
0x23: {  	s9 =	sor.u32 $0xD0000000, s2;
	s6 =	simm.s32 $0x108;
	_ =	swait.ge @!p0 [sflag:s8], $0x0  }
0x24: {  	s3 =	sadd.s32 $0x88, s3;
	s6 =	simm.s32 @!p1 $0x1082;
	[sflag:s4] =	ssyncset.s32 $0xFFFFF086  }
0x25: {  	[simem:s6], [sflag:s4] =	dma.local [hbm:s3], $0xF7A  }
0x26: {  	[smem:$0x3F9D] =	sst s1;
	(tag) =	ssettag s2;
	_ =	strace s9  }
0x27: {  	s1 =	sld [smem:$0x3FAD]  }
0x28: {  	s2 =	sld [smem:$0x3FAE]  }
0x29: {  	s4 =	sld [smem:$0x3FB0]  }
0x2a: {  	p0 =	seq.s32 s5, $0x0;
	s5 =	sld [smem:$0x3FB1]  }
0x2b: {  	s6 =	sld [smem:$0x3FB2]  }
0x2c: {  	s7 =	sld [smem:$0x3FB3]  }
0x2d: {  	s3 =	simm.s32 $0x108;
	s8 =	sld [smem:$0x3FB4]  }
0x2e: {  	s3 =	simm.s32 @!p0 $0x1082;
	s9 =	sld [smem:$0x3FB5]  }
0x2f: {  	lr =	sadd.s32 s0, s3;
	s0 =	sld [smem:$0x3FAC]  }
0x30: {  	s3 =	sld [smem:$0x3FAF]  }
0x31: {  	[smem:$0x3FB8] =	sst s10  }
0x32: {  	s10 =	sld [smem:$0x3FB6];
	_ =	sdelay $0x3  }
0x33: {  	p0 =	seq.s32 s10, $0x1;
	s10 =	sld [smem:$0x3FB8];
	_ =	sdelay $0x3  }
0x34: {  	[smem:$0x3FB8] =	sst s10  }
0x35: {  	s10 =	sld [smem:$0x3FB7];
	_ =	sdelay $0x3  }
0x36: {  	p1 =	seq.s32 s10, $0x1;
	s10 =	sld [smem:$0x3FB8];
	_ =	sdelay $0x3  }
0x37: {  	[smem:$0x3FB8] =	sst s10  }
0x38: {  	s10 =	sld [smem:$0x3FB9]  }
0x39: {  	_ = 	snop;
	(pc) =	sbr.ind lr, $3  }
0x3a: {  	_ = 	snop  }
0x3b: {  	_ = 	snop  }
0x3c: {  	p2 =	seq.s32 s10, $0x1;
	s10 =	sld [smem:$0x3FB8]  }
0x3d: {  	_ =	shalt  }
0x3e: {  	_ =	shalt  }
0x3f: {  	_ =	shalt  }
0x40: {  	_ =	shalt  }
0x41: {  	_ =	shalt  }
0x42: {  	_ =	shalt  }
0x43: {  	_ =	shalt  }
0x44: {  	_ =	shalt  }
0x45: {  	_ =	shalt  }
0x46: {  	_ =	shalt  }
0x47: {  	_ =	shalt  }
0x48: {  	_ =	shalt  }
0x49: {  	_ =	shalt  }
0x4a: {  	_ =	shalt  }
0x4b: {  	_ =	shalt  }
0x4c: {  	_ =	shalt  }
0x4d: {  	_ =	shalt  }
0x4e: {  	_ =	shalt  }
0x4f: {  	_ =	shalt  }
0x50: {  	_ =	shalt  }
0x51: {  	_ =	shalt  }
0x52: {  	_ =	shalt  }
0x53: {  	_ =	shalt  }
0x54: {  	_ =	shalt  }
0x55: {  	_ =	shalt  }
0x56: {  	_ =	shalt  }
0x57: {  	_ =	shalt  }
0x58: {  	_ =	shalt  }
0x59: {  	_ =	shalt  }
0x5a: {  	_ =	shalt  }
0x5b: {  	_ =	shalt  }
0x5c: {  	_ =	shalt  }
0x5d: {  	_ =	shalt  }
0x5e: {  	_ =	shalt  }
0x5f: {  	_ =	shalt  }
0x60: {  	_ =	shalt  }
0x61: {  	_ =	shalt  }
0x62: {  	_ =	shalt  }
0x63: {  	_ =	shalt  }
0x64: {  	_ =	shalt  }
0x65: {  	_ =	shalt  }
0x66: {  	_ =	shalt  }
0x67: {  	_ =	shalt  }
0x68: {  	_ =	shalt  }
0x69: {  	_ =	shalt  }
0x6a: {  	_ =	shalt  }
0x6b: {  	_ =	shalt  }
0x6c: {  	_ =	shalt  }
0x6d: {  	_ =	shalt  }
0x6e: {  	_ =	shalt  }
0x6f: {  	_ =	shalt  }
0x70: {  	_ =	shalt  }
0x71: {  	_ =	shalt  }
0x72: {  	_ =	shalt  }
0x73: {  	_ =	shalt  }
0x74: {  	_ =	shalt  }
0x75: {  	_ =	shalt  }
0x76: {  	_ =	shalt  }
0x77: {  	_ =	shalt  }
0x78: {  	_ =	shalt  }
0x79: {  	_ =	shalt  }
0x7a: {  	_ =	shalt  }
0x7b: {  	_ =	shalt  }
0x7c: {  	_ =	shalt  }
0x7d: {  	_ =	shalt  }
0x7e: {  	_ =	shalt  }
0x7f: {  	_ =	shalt  }
0x80: {  	_ =	shalt  }
0x81: {  	_ =	shalt  }
0x82: {  	_ =	shalt  }
0x83: {  	_ =	shalt  }
0x84: {  	_ =	shalt  }
0x85: {  	_ =	shalt  }
0x86: {  	_ =	shalt  }
0x87: {  	_ =	shalt  }
.Lfunc_end0:
.L_simem_size_0:
called_computation_lowered:
.L_overlay_start_0:
0x88: {  	s2 =	sld [smem:$0x3FD9]  }
0x89: {  	s3 =	sld [smem:$0x3FFE];
	_ =	sdelay $0x1  }
0x8a: {  	s1 =	srdreg.scid  }
0x8b: {  	s0 =	sand.u32 $0x1, s1  }
0x8c: {  	s17 =	sshll.u32 s0, $0xA;
	s2 =	sadd.s32 s3, s2  }
0x8d: {  	s2 =	sadd.s32 s2, s17  }
0x8e: {  	[smem:$0x3FC4] =	sst s2  }
0x8f: {  	_ = 	snop  }
0x90: {  	s2 =	sld [smem:$0x3FC9]  }
0x91: {  	s18 =	sld [smem:$0x3FD0];
	(tm) =	ssettm $0x1  }
0x92: {  	s4 =	sld [smem:$0x3FFB];
	_ =	sdelay $0x3  }
0x93: {  	_ =	strace s4  }
0x94: {  	s4 =	sld [smem:$0x3FFC];
	_ =	sdelay $0x3  }
0x95: {  	_ =	strace s4  }
0x96: {  	s4 =	sld [smem:$0x3FFD];
	_ =	sdelay $0x3  }
0x97: {  	_ =	strace s4  }
0x98: {  	_ =	strace $0x8FFFFFFF  }
0x99: {  	s19 =	sld [smem:$0x3FDB];
	_ =	sdelay $0x1  }
0x9a: {  	s5 =	simm.s32 $_scs_section_size  }
0x9b: {  	s6 =	simm.s32 $_size__tile_overlayer_lowered;
	s7 =	simm.s32 $_tile_overlayer_lowered  }
0x9c: {  	s22 =	simm.s32 $0x1BFF;
	s21 =	sshll.u32 s7, $0x1;
	s4 =	sadd.s32 s5, s19  }
0x9d: {  	s8 =	simm.s32 $0x0;
	s20 =	sshll.u32 s6, $0x1;
	s6 =	sadd.s32 s21, s4  }
0x9e: {  	[timem:s8], [sflag:s22] =	dma.local [hbm:s6], s20  }
0x9f: {  	_ =	swait.ge [sflag:s22], s20  }
0xa0: {  	s5 =	ssub.s32 $0x0, s20;
	[sflag:s22] =	ssyncset.done $0x0  }
0xa1: {  	[sflag:s22] =	ssyncadd.s32 s5;
	_ =	sdelay $0x1  }
0xa2: {  	s23 =	simm.s32 $0x1B8B  }
0xa3: {  	_ =	swait.ge [sflag:s23], $0x1  }
0xa4: {  	[sflag:s23] =	ssyncset.done $0x0  }
0xa5: {  	s25 =	simm.s32 $0x1B8E;
	s24 =	sld [smem:$0x3FFE];
	[sflag:s23] =	ssyncadd.s32 $0xFFFFFFFF  }
0xa6: {  	s26 =	simm.s32 $execute0_lowered;
	[smem:$0x3FD2] =	sst s25  }
0xa7: {  	s6 =	sshll.u32 s26, $0x1;
	_ =	strace $0x80000046;
	[dreg:$0x1] =	wrdreg $0xFFFFFFFF  }
0xa8: {  	s28 =	simm.s32 $_size_execute0_lowered;
	s4 =	sadd.s32 s4, s6;
	[dreg:$0x0] =	wrdreg $0x0  }
0xa9: {  	s6 =	sshll.u32 s28, $0x1;
	[dreg:$0x2] =	wrdreg s4  }
0xaa: {  	[dreg:$0x3] =	wrdreg s6  }
0xab: {  	[dreg:$0x4] =	wrdreg $0xC0  }
0xac: {  	_ =	task [dreg:s8], $0x5FFFF  }
0xad: {  	[dreg:$0x1] =	wrdreg $0xFFFFFFFF  }
0xae: {  	[dreg:$0x0] =	wrdreg $0x60  }
0xaf: {  	[dreg:$0x2] =	wrdreg s2  }
0xb0: {  	[dreg:$0x3] =	wrdreg s18  }
0xb1: {  	[dreg:$0x4] =	wrdreg s24  }
0xb2: {  	[dreg:$0x5] =	wrdreg $0x0  }
0xb3: {  	[dreg:$0x6] =	wrdreg $0x140000  }
0xb4: {  	[dreg:$0x7] =	wrdreg $0x9  }
0xb5: {  	_ =	task.clear_ibuf [dreg:s8], $0x8FFFF;
	_ =	strace $0x90000046  }
0xb6: {  	s29 =	simm.s32 $0x9;
	_ =	strace $0x80000048  }
0xb7: {  	_ =	swait.ge [sflag:s29], $0x1  }
0xb8: {  	[sflag:s29] =	ssyncadd.s32 $0xFFFFFFFF  }
0xb9: {  	_ =	strace $0x90000048  }
0xba: {  	_ =	sfence  }
0xbb: {  	s30 =	sld [smem:$0x0];
	_ =	sdelay $0x2  }
0xbc: {  	s31 =	sshll.u32 s1, $0xD;
	s1 =	sshrl.u32 s1, $0x2  }
0xbd: {  	s3 =	sand.u32 $0x4000, s31;
	s1 =	sadd.s32 s1, s30  }
0xbe: {  	s0 =	sor.u32 s3, s0;
	s1 =	sshll.u32 s1, $0x11  }
0xbf: {  	s0 =	sor.u32 s1, s0  }
0xc0: {  	s0 =	sadd.s32 $0x8F2B, s0  }
0xc1: {  	[sflag:s0] =	ssyncadd.remote.s32 $0x1  }
0xc2: {  	_ =	sfence.sel $0xFFFF  }
0xc3: {  	[dreg:$0x0] =	wrdreg $0xFFFFFFFF;
	(pc) =	sbr.abs _section_cstart, $3  }
0xc4: {  	[dreg:$0x1] =	wrdreg $0xFFFFFFFF  }
0xc5: {  	_ =	task.clear_ibuf [dreg:s8], $0x2FFFF;
	_ =	strace $0x9FFFFFFF  }
0xc6: {  	(tm) =	ssettm $0x7FFFFFFF  }
0xc7: {  	_ =	shalt  }
tec
execute0_lowered:
.L_overlay_start_1:
0x0: {  	(tag) =	ssettag $0x1  }
0x1: {  	s0 =	srdreg.scid;
	s22 =	stileid.u32  }
0x2: {  	s4 =	sand.u32 $0x1, s0;
	s10 =	smul.u32 $0x14000, s22  }
0x3: {  	s3 =	rddreg [dreg:$0x2];
	s7 =	smul.u32 $0x2800, s4  }
0x4: {  	s0 =	sshll.u32 s4, $0x4;
	s2 =	ssub.s32 $0x2, s4;
	s4 =	smul.u32 $0x140000, s4  }
0x5: {  	s1 =	simm.s32 $0x0;
	s5 =	sor.u32 s22, s0;
	s0 =	smul.u32 $0x280, s22  }
0x6: {  	[smem:$0x7FF] =	sst s1;
	s6 =	sadd.s32 $0x15A00, s3;
	s8 =	sshrl.u32 s2, $0x1  }
0x7: {  	s2 =	ssub.s32 s2, s8;
	s10 =	sadd.s32 s10, s4;
	s17 =	sshll.u32 s0, $0x7  }
0x8: {  	s10 =	sshrl.u32 s10, $0x3;
	s9 =	sor.u32 $0x2000, s17;
	s12 =	sadd.s32 $0x4000, s17  }
0x9: {  	s13 =	sadd.s32 $0x6000, s17;
	s15 =	sadd.s32 $0x8000, s17;
	s18 =	sadd.s32 $0xA000, s17  }
0xa: {  	s19 =	sadd.s32 $0xC000, s17;
	s20 =	sadd.s32 $0xE000, s17;
	s21 =	sadd.s32 $0x10000, s17  }
0xb: {  	s8 =	sadd.s32 $0x12000, s17;
	s10 =	sadd.s32 s6, s10;
	s11 =	sadd.s32 s4, s9  }
0xc: {  	[dreg:$0x6] =	wrdreg s10;
	s24 =	sadd.s32 s4, s12;
	s25 =	sadd.s32 s4, s13  }
0xd: {  	s14 =	sadd.s32 s4, s15;
	s16 =	sadd.s32 s4, s19;
	s17 =	sadd.s32 s4, s20  }
0xe: {  	s23 =	sshrl.u32 s11, $0x3;
	s11 =	sshrl.u32 s25, $0x3;
	s25 =	sadd.s32 s4, s21  }
0xf: {  	s10 =	sadd.s32 s6, s23;
	s26 =	sadd.s32 s6, s11;
	s11 =	sshrl.u32 s14, $0x3  }
0x10: {  	s14 =	sadd.s32 s4, s18;
	s4 =	sadd.s32 s4, s8;
	[dreg:$0x7] =	wrdreg s10  }
0x11: {  	s10 =	sshrl.u32 s24, $0x3;
	[dreg:$0x9] =	wrdreg s26;
	s24 =	sshrl.u32 s17, $0x3  }
0x12: {  	s4 =	sshrl.u32 s4, $0x3;
	s17 =	rddreg [dreg:$0x4];
	s10 =	sadd.s32 s6, s10  }
0x13: {  	s4 =	sadd.s32 s6, s4;
	[dreg:$0x8] =	wrdreg s10  }
0x14: {  	s10 =	sadd.s32 s6, s11;
	[dreg:$0xf] =	wrdreg s4  }
0x15: {  	s11 =	sshrl.u32 s16, $0x3;
	[dreg:$0xa] =	wrdreg s10  }
0x16: {  	s26 =	sshrl.u32 s25, $0x3;
	s23 =	sadd.s32 s6, s11;
	s11 =	rddreg [dreg:$0x1]  }
0x17: {  	s10 =	sshrl.u32 s14, $0x3;
	s14 =	sadd.s32 s6, s26;
	[dreg:$0xc] =	wrdreg s23  }
0x18: {  	s16 =	smul.u32 $0x5000, s5;
	s5 =	sadd.s32 s0, s7;
	[dreg:$0xe] =	wrdreg s14  }
0x19: {  	s4 =	sshrl.u32 s5, $0x3;
	s10 =	sadd.s32 s6, s10;
	s14 =	rddreg [dreg:$0x3]  }
0x1a: {  	s7 =	sshrl.u32 s16, $0x3;
	[dreg:$0xb] =	wrdreg s10;
	s10 =	sadd.s32 s6, s24  }
0x1b: {  	s4 =	sadd.s32 s4, s3;
	s3 =	sadd.s32 s7, s3;
	[dreg:$0xd] =	wrdreg s10  }
0x1c: {  	s23 =	sadd.s32 s9, s14;
	s10 =	rddreg [dreg:$0x0];
	s3 =	sadd.s32 $0x1000, s3  }
0x1d: {  	s9 =	sadd.s32 s12, s14;
	_ =	strace $0x80000047;
	[dreg:$0x10] =	wrdreg s3  }
0x1e: {  	s12 =	sadd.s32 s13, s14;
	[dreg:$0x11] =	wrdreg s9  }
0x1f: {  	s13 =	sadd.s32 s15, s14;
	[dreg:$0x12] =	wrdreg s12  }
0x20: {  	s15 =	sadd.s32 s18, s14;
	[dreg:$0x13] =	wrdreg s13  }
0x21: {  	s28 =	simm.s32 $0x14280;
	s18 =	sadd.s32 s19, s14;
	[dreg:$0x14] =	wrdreg s15  }
0x22: {  	s31 =	simm.s32 $0x6;
	s19 =	sadd.s32 s20, s14;
	[dreg:$0x15] =	wrdreg s18  }
0x23: {  	s2 =	smax.u32 s2, $0x1;
	s20 =	sadd.s32 s21, s14;
	[dreg:$0x1c] =	wrdreg s19  }
0x24: {  	s30 =	sadd.s32 s0, s17;
	s24 =	sadd.s32 $0x15000, s4;
	[dreg:$0x1d] =	wrdreg s20  }
0x25: {  	s6 =	smul.u32 $0x50000, s22;
	s21 =	sadd.s32 s11, s7;
	[dreg:$0x17] =	wrdreg s24  }
0x26: {  	s29 =	sadd.s32 s8, s14;
	s25 =	sadd.s32 $0x10, s21;
	[dreg:$0x18] =	wrdreg s2  }
0x27: {  	s7 =	simm.s32 $0x19600;
	s26 =	sadd.s32 $0x20, s21;
	[dreg:$0x19] =	wrdreg s25  }
0x28: {  	s4 =	simm.s32 $0x5;
	s8 =	simm.s32 $0x2;
	[dreg:$0x1a] =	wrdreg s26  }
0x29: {  	s0 =	sadd.s32 $0x30, s21;
	s5 =	sshrl.u32 s6, $0x2;
	[dreg:$0x16] =	wrdreg s21  }
.Ltmp0:
0x2a: {  	[dreg:$0x1b] =	wrdreg s0;
	s6 =	simm.s32 $0x8;
	(pc) =	sbr.rel .LBB2_1-.Ltmp0, $4  }
0x2b: {  	s9 =	simm.s32 $0x14500;
	s12 =	simm.s32 $0x14580;
	s15 =	simm.s32 $0x1  }
0x2c: {  	s18 =	simm.s32 $0x40;
	s13 =	simm.s32 $0x1B600;
	s0 =	simm.s32 $0x3  }
0x2d: {  	s2 =	simm.s32 $0x1D600;
	s3 =	simm.s32 $0x4;
	s19 =	simm.s32 $0x0  }
0x2e: {  	v0 =	vimm.f32 $0.0e+00;
	v1 =	vimm.f32 $1.000000000e+00;
	s26 =	simm.s32 $0x14600;
	s22 =	sadd.s32 s5, s14;
	s5 =	simm.s32 $0x7  }
.LBB2_6:
0x2f: {  	_ =	swait.ge [sflag:s15], $0x80  }
0x30: {  	[sflag:s15] =	ssyncset.done $0x0  }
0x31: {  	[sflag:s15] =	ssyncadd.s32 $0xFFFFFF80  }
0x32: {  	_ =	swait.ge [sflag:s8], $0x80  }
0x33: {  	[sflag:s8] =	ssyncset.done $0x0  }
0x34: {  	[sflag:s8] =	ssyncadd.s32 $0xFFFFFF80  }
0x35: {  	_ =	swait.ge [sflag:s4], $0x2000  }
0x36: {  	[sflag:s4] =	ssyncset.done $0x0  }
0x37: {  	[sflag:s4] =	ssyncadd.s32 $0xFFFFE000  }
0x38: {  	_ =	swait.ge [sflag:s31], $0x2000  }
0x39: {  	[sflag:s31] =	ssyncset.done $0x0  }
0x3a: {  	[sflag:s31] =	ssyncadd.s32 $0xFFFFE000  }
0x3b: {  	_ =	swait.ge [sflag:s5], $0x40  }
0x3c: {  	[sflag:s5] =	ssyncset.done $0x0  }
0x3d: {  	[sflag:s5] =	ssyncadd.s32 $0xFFFFFFC0  }
0x3e: {  	_ =	swait.ge [sflag:s5], $0x40  }
0x3f: {  	[sflag:s5] =	ssyncset.done $0x0  }
0x40: {  	[sflag:s5] =	ssyncadd.s32 $0xFFFFFFC0  }
0x41: {  	[bflag:$0x0] =	sbarrier.arrive $0xFFFF  }
0x42: {  	[tilespmem:s7], [sflag:$0x8] =	stream.linear.gather [spmem:s24], $0x2000, $0x38;
	[tilespmem:$0x1D680] =	vst v63  }
0x43: {  	_ =	swait.ge [sflag:s6], $0x2000  }
0x44: {  	[sflag:s6] =	ssyncset.done $0x0  }
0x45: {  	s20 =	rddreg [dreg:$0x6];
	[sflag:s6] =	ssyncadd.s32 $0xFFFFE000  }
0x46: {  	[hbm4b:s20+s1] =	stream.linear.scatter [tilespmem:s7], [sflag:$0x8], $0x2000, $0x38;
	[tilespmem:$0x1D680] =	vst v63  }
0x47: {  	_ =	swait.ge [sflag:s6], $0x2000  }
0x48: {  	[sflag:s6] =	ssyncset.done $0x0  }
0x49: {  	[sflag:s6] =	ssyncadd.s32 $0xFFFFE000  }
0x4a: {  	[tilespmem:s7], [sflag:$0x8] =	stream.linear.gather [spmem:s25], $0x2000, $0x38;
	[tilespmem:$0x1D680] =	vst v63  }
0x4b: {  	_ =	swait.ge [sflag:s6], $0x2000  }
0x4c: {  	[sflag:s6] =	ssyncset.done $0x0  }
0x4d: {  	s21 =	rddreg [dreg:$0x7];
	[sflag:s6] =	ssyncadd.s32 $0xFFFFE000  }
0x4e: {  	[hbm4b:s21+s1] =	stream.linear.scatter [tilespmem:s7], [sflag:$0x8], $0x2000, $0x38;
	[tilespmem:$0x1D680] =	vst v63  }
0x4f: {  	_ =	swait.ge [sflag:s6], $0x2000  }
0x50: {  	[sflag:s6] =	ssyncset.done $0x0  }
0x51: {  	s22 =	smov.u32 s24;
	s24 =	rddreg [dreg:$0x11];
	[sflag:s6] =	ssyncadd.s32 $0xFFFFE000  }
0x52: {  	[tilespmem:s7], [sflag:$0x8] =	stream.linear.gather [spmem:s24], $0x2000, $0x38;
	[tilespmem:$0x1D680] =	vst v63  }
0x53: {  	_ =	swait.ge [sflag:s6], $0x2000  }
0x54: {  	[sflag:s6] =	ssyncset.done $0x0  }
0x55: {  	s23 =	smov.u32 s25;
	s25 =	rddreg [dreg:$0x8];
	[sflag:s6] =	ssyncadd.s32 $0xFFFFE000  }
0x56: {  	[hbm4b:s25+s1] =	stream.linear.scatter [tilespmem:s7], [sflag:$0x8], $0x2000, $0x38;
	[tilespmem:$0x1D680] =	vst v63  }
0x57: {  	_ =	swait.ge [sflag:s6], $0x2000  }
0x58: {  	[sflag:s6] =	ssyncset.done $0x0  }
0x59: {  	s21 =	rddreg [dreg:$0x12];
	[sflag:s6] =	ssyncadd.s32 $0xFFFFE000  }
0x5a: {  	[tilespmem:s7], [sflag:$0x8] =	stream.linear.gather [spmem:s21], $0x2000, $0x38;
	[tilespmem:$0x1D680] =	vst v63  }
0x5b: {  	_ =	swait.ge [sflag:s6], $0x2000  }
0x5c: {  	[sflag:s6] =	ssyncset.done $0x0  }
0x5d: {  	s24 =	rddreg [dreg:$0x9];
	[sflag:s6] =	ssyncadd.s32 $0xFFFFE000  }
0x5e: {  	[hbm4b:s24+s1] =	stream.linear.scatter [tilespmem:s7], [sflag:$0x8], $0x2000, $0x38;
	[tilespmem:$0x1D680] =	vst v63  }
0x5f: {  	_ =	swait.ge [sflag:s6], $0x2000  }
0x60: {  	[sflag:s6] =	ssyncset.done $0x0  }
0x61: {  	s25 =	rddreg [dreg:$0x13];
	[sflag:s6] =	ssyncadd.s32 $0xFFFFE000  }
0x62: {  	[tilespmem:s7], [sflag:$0x8] =	stream.linear.gather [spmem:s25], $0x2000, $0x38;
	[tilespmem:$0x1D680] =	vst v63  }
0x63: {  	_ =	swait.ge [sflag:s6], $0x2000  }
0x64: {  	[sflag:s6] =	ssyncset.done $0x0  }
0x65: {  	s21 =	rddreg [dreg:$0xa];
	[sflag:s6] =	ssyncadd.s32 $0xFFFFE000  }
0x66: {  	[hbm4b:s21+s1] =	stream.linear.scatter [tilespmem:s7], [sflag:$0x8], $0x2000, $0x38;
	[tilespmem:$0x1D680] =	vst v63  }
0x67: {  	_ =	swait.ge [sflag:s6], $0x2000  }
0x68: {  	[sflag:s6] =	ssyncset.done $0x0  }
0x69: {  	s24 =	rddreg [dreg:$0x14];
	[sflag:s6] =	ssyncadd.s32 $0xFFFFE000  }
0x6a: {  	[tilespmem:s7], [sflag:$0x8] =	stream.linear.gather [spmem:s24], $0x2000, $0x38;
	[tilespmem:$0x1D680] =	vst v63  }
0x6b: {  	_ =	swait.ge [sflag:s6], $0x2000  }
0x6c: {  	[sflag:s6] =	ssyncset.done $0x0  }
0x6d: {  	s25 =	rddreg [dreg:$0xb];
	[sflag:s6] =	ssyncadd.s32 $0xFFFFE000  }
0x6e: {  	[hbm4b:s25+s1] =	stream.linear.scatter [tilespmem:s7], [sflag:$0x8], $0x2000, $0x38;
	[tilespmem:$0x1D680] =	vst v63  }
0x6f: {  	_ =	swait.ge [sflag:s6], $0x2000  }
0x70: {  	[sflag:s6] =	ssyncset.done $0x0  }
0x71: {  	s21 =	rddreg [dreg:$0x15];
	[sflag:s6] =	ssyncadd.s32 $0xFFFFE000  }
0x72: {  	[tilespmem:s7], [sflag:$0x8] =	stream.linear.gather [spmem:s21], $0x2000, $0x38;
	[tilespmem:$0x1D680] =	vst v63  }
0x73: {  	_ =	swait.ge [sflag:s6], $0x2000  }
0x74: {  	[sflag:s6] =	ssyncset.done $0x0  }
0x75: {  	s24 =	rddreg [dreg:$0xc];
	[sflag:s6] =	ssyncadd.s32 $0xFFFFE000  }
0x76: {  	[hbm4b:s24+s1] =	stream.linear.scatter [tilespmem:s7], [sflag:$0x8], $0x2000, $0x38;
	[tilespmem:$0x1D680] =	vst v63  }
0x77: {  	_ =	swait.ge [sflag:s6], $0x2000  }
0x78: {  	[sflag:s6] =	ssyncset.done $0x0  }
0x79: {  	s25 =	rddreg [dreg:$0x1c];
	[sflag:s6] =	ssyncadd.s32 $0xFFFFE000  }
0x7a: {  	[tilespmem:s7], [sflag:$0x8] =	stream.linear.gather [spmem:s25], $0x2000, $0x38;
	[tilespmem:$0x1D680] =	vst v63  }
0x7b: {  	_ =	swait.ge [sflag:s6], $0x2000  }
0x7c: {  	[sflag:s6] =	ssyncset.done $0x0  }
0x7d: {  	s21 =	rddreg [dreg:$0xd];
	[sflag:s6] =	ssyncadd.s32 $0xFFFFE000  }
0x7e: {  	[hbm4b:s21+s1] =	stream.linear.scatter [tilespmem:s7], [sflag:$0x8], $0x2000, $0x38;
	[tilespmem:$0x1D680] =	vst v63  }
0x7f: {  	_ =	swait.ge [sflag:s6], $0x2000  }
0x80: {  	[sflag:s6] =	ssyncset.done $0x0  }
0x81: {  	s24 =	rddreg [dreg:$0x1d];
	[sflag:s6] =	ssyncadd.s32 $0xFFFFE000  }
0x82: {  	[tilespmem:s7], [sflag:$0x8] =	stream.linear.gather [spmem:s24], $0x2000, $0x38;
	[tilespmem:$0x1D680] =	vst v63  }
0x83: {  	_ =	swait.ge [sflag:s6], $0x2000  }
0x84: {  	[sflag:s6] =	ssyncset.done $0x0  }
0x85: {  	s25 =	rddreg [dreg:$0xe];
	[sflag:s6] =	ssyncadd.s32 $0xFFFFE000  }
0x86: {  	[hbm4b:s25+s1] =	stream.linear.scatter [tilespmem:s7], [sflag:$0x8], $0x2000, $0x38;
	[tilespmem:$0x1D680] =	vst v63  }
0x87: {  	_ =	swait.ge [sflag:s6], $0x2000  }
0x88: {  	[sflag:s6] =	ssyncset.done $0x0  }
0x89: {  	[sflag:s6] =	ssyncadd.s32 $0xFFFFE000  }
0x8a: {  	[tilespmem:s7], [sflag:$0x8] =	stream.linear.gather [spmem:s29], $0x2000, $0x38;
	[tilespmem:$0x1D680] =	vst v63  }
0x8b: {  	_ =	swait.ge [sflag:s6], $0x2000  }
0x8c: {  	[sflag:s6] =	ssyncset.done $0x0  }
0x8d: {  	s21 =	rddreg [dreg:$0xf];
	[sflag:s6] =	ssyncadd.s32 $0xFFFFE000  }
0x8e: {  	[hbm4b:s21+s1] =	stream.linear.scatter [tilespmem:s7], [sflag:$0x8], $0x2000, $0x38;
	[tilespmem:$0x1D680] =	vst v63  }
0x8f: {  	_ =	swait.ge [sflag:s6], $0x2000  }
0x90: {  	[sflag:s6] =	ssyncset.done $0x0  }
0x91: {  	s21 =	simm.s32 $0x14280;
	[sflag:s6] =	ssyncadd.s32 $0xFFFFE000  }
0x92: {  	[tilespmem:s21], [sflag:$0x8] =	stream.linear.gather [spmem:s30], $0x280, $0x38;
	[tilespmem:$0x1D680] =	vst v63  }
0x93: {  	_ =	swait.ge [sflag:s6], $0x280  }
0x94: {  	[sflag:s6] =	ssyncset.done $0x0  }
0x95: {  	s24 =	rddreg [dreg:$0x17];
	[sflag:s6] =	ssyncadd.s32 $0xFFFFFD80  }
0x96: {  	[hbm4b:s24+s1] =	stream.linear.scatter [tilespmem:s21], [sflag:$0x8], $0x280, $0x38;
	[tilespmem:$0x1D680] =	vst v63  }
0x97: {  	_ =	swait.ge [sflag:s6], $0x280  }
0x98: {  	s19 =	sadd.s32 $0x1, s19;
	s25 =	rddreg [dreg:$0x18]  }
0x99: {  	p0 =	sne.s32 s19, s25  }
.Ltmp1:
0x9a: {  	_ = 	snop;
	(pc) =	sbr.rel @!p0 .LBB2_7-.Ltmp1, $3  }
0x9b: {  	_ =	sdelay $0x1  }
0x9c: {  	[sflag:s6] =	ssyncset.done $0x0  }
0x9d: {  	s28 =	simm.s32 $0x14280;
	[sflag:s6] =	ssyncadd.s32 $0xFFFFFD80  }
.LBB2_1:
0x9e: {  	s20 =	simm.s32 $0x0;
	s21 =	simm.s32 $0x200  }
.LBB2_2:
0x9f: {  	p0 =	sne.s32 s21, $0x7E00;
	[tilespmem:s20+$0x19670] =	vst v0  }
0xa0: {  	[tilespmem:s20+$0x19600] =	vst v0  }
0xa1: {  	[tilespmem:s20+$0x19610] =	vst v0  }
.Ltmp2:
0xa2: {  	[tilespmem:s20+$0x19620] =	vst v0;
	(pc) =	sbr.rel @p0 .LBB2_2-.Ltmp2, $4  }
0xa3: {  	[tilespmem:s20+$0x19630] =	vst v0  }
0xa4: {  	[tilespmem:s20+$0x19640] =	vst v0  }
0xa5: {  	[tilespmem:s20+$0x19650] =	vst v0  }
0xa6: {  	[tilespmem:s20+$0x19660] =	vst v0;
	s20 =	sshra.s32 s21, $0x2;
	s21 =	sadd.s32 $0x200, s21  }
0xa7: {  	[tilespmem:s20+$0x19670] =	vst v0  }
0xa8: {  	[tilespmem:s20+$0x19600] =	vst v0  }
0xa9: {  	[tilespmem:s20+$0x19610] =	vst v0  }
0xaa: {  	[tilespmem:s20+$0x19620] =	vst v0  }
0xab: {  	[tilespmem:s20+$0x19630] =	vst v0  }
0xac: {  	[tilespmem:s20+$0x19640] =	vst v0  }
0xad: {  	[tilespmem:s20+$0x19650] =	vst v0  }
0xae: {  	[tilespmem:s20+$0x19660] =	vst v0  }
0xaf: {  	[tilespmem:$0x14280] =	vst v0  }
0xb0: {  	[tilespmem:$0x14290] =	vst v0  }
0xb1: {  	[tilespmem:$0x142A0] =	vst v0  }
0xb2: {  	[tilespmem:$0x142B0] =	vst v0  }
0xb3: {  	[tilespmem:$0x142C0] =	vst v0  }
0xb4: {  	[tilespmem:$0x142D0] =	vst v0  }
0xb5: {  	[tilespmem:$0x142E0] =	vst v0  }
0xb6: {  	[tilespmem:$0x142F0] =	vst v0  }
0xb7: {  	[tilespmem:$0x14300] =	vst v0  }
0xb8: {  	[tilespmem:$0x14310] =	vst v0  }
0xb9: {  	[tilespmem:$0x14320] =	vst v0  }
0xba: {  	[tilespmem:$0x14330] =	vst v0  }
0xbb: {  	[tilespmem:$0x14340] =	vst v0  }
0xbc: {  	[tilespmem:$0x14350] =	vst v0  }
0xbd: {  	[tilespmem:$0x14360] =	vst v0  }
0xbe: {  	[tilespmem:$0x14370] =	vst v0  }
0xbf: {  	[tilespmem:$0x14380] =	vst v0  }
0xc0: {  	[tilespmem:$0x14390] =	vst v0  }
0xc1: {  	[tilespmem:$0x143A0] =	vst v0  }
0xc2: {  	[tilespmem:$0x143B0] =	vst v0  }
0xc3: {  	[tilespmem:$0x143C0] =	vst v0  }
0xc4: {  	[tilespmem:$0x143D0] =	vst v0  }
0xc5: {  	[tilespmem:$0x143E0] =	vst v0  }
0xc6: {  	[tilespmem:$0x143F0] =	vst v0  }
0xc7: {  	[tilespmem:$0x14400] =	vst v0  }
0xc8: {  	[tilespmem:$0x14410] =	vst v0  }
0xc9: {  	[tilespmem:$0x14420] =	vst v0  }
0xca: {  	[tilespmem:$0x14430] =	vst v0  }
0xcb: {  	[tilespmem:$0x14440] =	vst v0  }
0xcc: {  	[tilespmem:$0x14450] =	vst v0  }
0xcd: {  	[tilespmem:$0x14460] =	vst v0  }
0xce: {  	[tilespmem:$0x14470] =	vst v0  }
0xcf: {  	[tilespmem:$0x14480] =	vst v0  }
0xd0: {  	[tilespmem:$0x14490] =	vst v0  }
0xd1: {  	[tilespmem:$0x144A0] =	vst v0  }
0xd2: {  	[tilespmem:$0x144B0] =	vst v0  }
0xd3: {  	[tilespmem:$0x144C0] =	vst v0  }
0xd4: {  	[tilespmem:$0x144D0] =	vst v0  }
0xd5: {  	[tilespmem:$0x144E0] =	vst v0  }
0xd6: {  	[tilespmem:$0x144F0] =	vst v0  }
0xd7: {  	[tilespmem:$0x1D600] =	vst v1  }
0xd8: {  	[tilespmem:$0x1D610] =	vst v1  }
0xd9: {  	[tilespmem:$0x1D620] =	vst v1  }
0xda: {  	s21 =	rddreg [dreg:$0x10];
	[tilespmem:$0x1D630] =	vst v1  }
0xdb: {  	[tilespmem:s26], [sflag:$0x8] =	stream.linear.gather [hbm4b:s21+s1], $0x4F00, $0x38;
	[tilespmem:$0x1D680] =	vst v63  }
0xdc: {  	_ =	swait.ge [sflag:s6], $0x4F00  }
0xdd: {  	[sflag:s6] =	ssyncset.done $0x0  }
0xde: {  	[sflag:s6] =	ssyncadd.s32 $0xFFFFB100  }
0xdf: {  	[spmem:s22] =	stream.linear.scatter [tilespmem:s7], [sflag:$0x8], $0x2000, $0x38;
	[tilespmem:$0x1D680] =	vst v63  }
0xe0: {  	_ =	swait.ge [sflag:s6], $0x2000  }
0xe1: {  	[sflag:s6] =	ssyncset.done $0x0  }
0xe2: {  	[sflag:s6] =	ssyncadd.s32 $0xFFFFE000  }
0xe3: {  	[spmem:s23] =	stream.linear.scatter [tilespmem:s7], [sflag:$0x8], $0x2000, $0x38;
	[tilespmem:$0x1D680] =	vst v63  }
0xe4: {  	_ =	swait.ge [sflag:s6], $0x2000  }
0xe5: {  	[sflag:s6] =	ssyncset.done $0x0  }
0xe6: {  	s25 =	smov.u32 s23;
	s23 =	rddreg [dreg:$0x11];
	[sflag:s6] =	ssyncadd.s32 $0xFFFFE000  }
0xe7: {  	[spmem:s23] =	stream.linear.scatter [tilespmem:s7], [sflag:$0x8], $0x2000, $0x38;
	[tilespmem:$0x1D680] =	vst v63  }
0xe8: {  	_ =	swait.ge [sflag:s6], $0x2000  }
0xe9: {  	[sflag:s6] =	ssyncset.done $0x0  }
0xea: {  	s21 =	rddreg [dreg:$0x12];
	[sflag:s6] =	ssyncadd.s32 $0xFFFFE000  }
0xeb: {  	[spmem:s21] =	stream.linear.scatter [tilespmem:s7], [sflag:$0x8], $0x2000, $0x38;
	[tilespmem:$0x1D680] =	vst v63  }
0xec: {  	_ =	swait.ge [sflag:s6], $0x2000  }
0xed: {  	[sflag:s6] =	ssyncset.done $0x0  }
0xee: {  	s24 =	smov.u32 s22;
	s22 =	rddreg [dreg:$0x13];
	[sflag:s6] =	ssyncadd.s32 $0xFFFFE000  }
0xef: {  	[spmem:s22] =	stream.linear.scatter [tilespmem:s7], [sflag:$0x8], $0x2000, $0x38;
	[tilespmem:$0x1D680] =	vst v63  }
0xf0: {  	_ =	swait.ge [sflag:s6], $0x2000  }
0xf1: {  	[sflag:s6] =	ssyncset.done $0x0  }
0xf2: {  	s23 =	rddreg [dreg:$0x14];
	[sflag:s6] =	ssyncadd.s32 $0xFFFFE000  }
0xf3: {  	[spmem:s23] =	stream.linear.scatter [tilespmem:s7], [sflag:$0x8], $0x2000, $0x38;
	[tilespmem:$0x1D680] =	vst v63  }
0xf4: {  	_ =	swait.ge [sflag:s6], $0x2000  }
0xf5: {  	[sflag:s6] =	ssyncset.done $0x0  }
0xf6: {  	s21 =	rddreg [dreg:$0x15];
	[sflag:s6] =	ssyncadd.s32 $0xFFFFE000  }
0xf7: {  	[spmem:s21] =	stream.linear.scatter [tilespmem:s7], [sflag:$0x8], $0x2000, $0x38;
	[tilespmem:$0x1D680] =	vst v63  }
0xf8: {  	_ =	swait.ge [sflag:s6], $0x2000  }
0xf9: {  	[sflag:s6] =	ssyncset.done $0x0  }
0xfa: {  	s22 =	rddreg [dreg:$0x1c];
	[sflag:s6] =	ssyncadd.s32 $0xFFFFE000  }
0xfb: {  	[spmem:s22] =	stream.linear.scatter [tilespmem:s7], [sflag:$0x8], $0x2000, $0x38;
	[tilespmem:$0x1D680] =	vst v63  }
0xfc: {  	_ =	swait.ge [sflag:s6], $0x2000  }
0xfd: {  	[sflag:s6] =	ssyncset.done $0x0  }
0xfe: {  	s23 =	rddreg [dreg:$0x1d];
	[sflag:s6] =	ssyncadd.s32 $0xFFFFE000  }
0xff: {  	[spmem:s23] =	stream.linear.scatter [tilespmem:s7], [sflag:$0x8], $0x2000, $0x38;
	[tilespmem:$0x1D680] =	vst v63  }
0x100: {  	_ =	swait.ge [sflag:s6], $0x2000  }
0x101: {  	[sflag:s6] =	ssyncset.done $0x0  }
0x102: {  	[sflag:s6] =	ssyncadd.s32 $0xFFFFE000  }
0x103: {  	[spmem:s29] =	stream.linear.scatter [tilespmem:s7], [sflag:$0x8], $0x2000, $0x38;
	[tilespmem:$0x1D680] =	vst v63  }
0x104: {  	_ =	swait.ge [sflag:s6], $0x2000  }
0x105: {  	[sflag:s6] =	ssyncset.done $0x0  }
0x106: {  	[sflag:s6] =	ssyncadd.s32 $0xFFFFE000  }
0x107: {  	[spmem:s30] =	stream.linear.scatter [tilespmem:s28], [sflag:$0x8], $0x280, $0x38;
	[tilespmem:$0x1D680] =	vst v63  }
0x108: {  	_ =	swait.ge [sflag:s6], $0x280  }
0x109: {  	[sflag:s6] =	ssyncset.done $0x0  }
0x10a: {  	s21 =	rddreg [dreg:$0x16];
	[sflag:s6] =	ssyncadd.s32 $0xFFFFFD80  }
0x10b: {  	[tilespmem:s9], [sflag:$0x1] =	stream.linear.gather [hbm4b:s21+s1], $0x80, $0x38;
	[tilespmem:$0x1D680] =	vst v63  }
0x10c: {  	s22 =	rddreg [dreg:$0x19]  }
0x10d: {  	[tilespmem:s12], [sflag:$0x2] =	stream.linear.gather [hbm4b:s22+s1], $0x80, $0x38;
	[tilespmem:$0x1D680] =	vst v63  }
0x10e: {  	_ =	swait.ge [sflag:s15], $0x80  }
0x10f: {  	[sflag:s15] =	ssyncset.done $0x0  }
0x110: {  	s20 =	simm.s32 $0x2;
	[sflag:s15] =	ssyncadd.s32 $0xFFFFFF80  }
0x111: {  	[tilespmem:s7], [sflag:$0x3] =	stream.indirect.gather [hbm4b:s10+s18], $0x80, s9, s18, $0xb8;
	[tilespmem:$0x1D680] =	vst v63  }
0x112: {  	_ =	swait.ge [sflag:s20], $0x80  }
0x113: {  	[sflag:s20] =	ssyncset.done $0x0  }
0x114: {  	[sflag:s20] =	ssyncadd.s32 $0xFFFFFF80  }
0x115: {  	[tilespmem:s13], [sflag:$0x4] =	stream.indirect.gather [hbm4b:s10+s18], $0x80, s12, s18, $0xb8;
	[tilespmem:$0x1D680] =	vst v63  }
0x116: {  	[bflag:$0x0] =	sbarrier.arrive $0xFFFF  }
0x117: {  	_ =	swait.ge [sflag:s0], $0x2000  }
0x118: {  	[sflag:s0] =	ssyncset.done $0x0  }
0x119: {  	s21 =	rddreg [dreg:$0x1a];
	[sflag:s0] =	ssyncadd.s32 $0xFFFFE000  }
0x11a: {  	[tilespmem:s9], [sflag:$0x1] =	stream.linear.gather [hbm4b:s21+s1], $0x80, $0x38;
	[tilespmem:$0x1D680] =	vst v63  }
0x11b: {  	_ = 	snop  }
0x11c: {  	[spmem:s14] =	stream.indirect.scatter.add.f32 [tilespmem:s7], [sflag:$0x5], $0x80, s26, s18, $0xb8;
	[tilespmem:$0x1D680] =	vst v63  }
0x11d: {  	_ = 	snop  }
0x11e: {  	[spmem:s17] =	stream.indirect.scatter.add.f32 [tilespmem:s2], [sflag:$0x7], $0x1, s26, s18, $0xb8;
	[tilespmem:$0x1D680] =	vst v63  }
0x11f: {  	_ =	swait.ge [sflag:s3], $0x2000  }
0x120: {  	[sflag:s3] =	ssyncset.done $0x0  }
0x121: {  	s23 =	rddreg [dreg:$0x1b];
	[sflag:s3] =	ssyncadd.s32 $0xFFFFE000  }
0x122: {  	[tilespmem:s12], [sflag:$0x2] =	stream.linear.gather [hbm4b:s23+s1], $0x80, $0x38;
	[tilespmem:$0x1D680] =	vst v63  }
0x123: {  	s28 =	simm.s32 $0x14680  }
0x124: {  	[spmem:s14] =	stream.indirect.scatter.add.f32 [tilespmem:s13], [sflag:$0x6], $0x80, s28, s18, $0xb8;
	[tilespmem:$0x1D680] =	vst v63  }
0x125: {  	_ = 	snop  }
0x126: {  	[spmem:s17] =	stream.indirect.scatter.add.f32 [tilespmem:s2], [sflag:$0x7], $0x1, s28, s18, $0xb8;
	[tilespmem:$0x1D680] =	vst v63  }
0x127: {  	_ =	swait.ge [sflag:s4], $0x2000  }
0x128: {  	[sflag:s4] =	ssyncset.done $0x0  }
0x129: {  	[sflag:s4] =	ssyncadd.s32 $0xFFFFE000  }
0x12a: {  	_ =	swait.ge [sflag:s15], $0x80  }
0x12b: {  	[sflag:s15] =	ssyncset.done $0x0  }
0x12c: {  	[sflag:s15] =	ssyncadd.s32 $0xFFFFFF80  }
0x12d: {  	[tilespmem:s7], [sflag:$0x3] =	stream.indirect.gather [hbm4b:s10+s18], $0x80, s9, s18, $0xb8;
	[tilespmem:$0x1D680] =	vst v63  }
0x12e: {  	_ =	swait.ge [sflag:s31], $0x2000  }
0x12f: {  	[sflag:s31] =	ssyncset.done $0x0  }
0x130: {  	[sflag:s31] =	ssyncadd.s32 $0xFFFFE000  }
0x131: {  	_ =	swait.ge [sflag:s20], $0x80  }
0x132: {  	[sflag:s20] =	ssyncset.done $0x0  }
0x133: {  	s21 =	simm.s32 $0x14780;
	[sflag:s20] =	ssyncadd.s32 $0xFFFFFF80  }
0x134: {  	[tilespmem:s13], [sflag:$0x4] =	stream.indirect.gather [hbm4b:s10+s18], $0x80, s12, s18, $0xb8;
	[tilespmem:$0x1D680] =	vst v63  }
.LBB2_4:
0x135: {  	s22 =	smin.u32 s20, $0x9B  }
0x136: {  	s22 =	sshll.u32 s22, $0x7  }
0x137: {  	s22 =	sadd.s32 $0x100, s22  }
0x138: {  	s23 =	sand.u32 $0xFC00, s22  }
0x139: {  	s22 =	sand.u32 $0x380, s22;
	s23 =	sadd.s32 s16, s23  }
0x13a: {  	_ =	swait.ge [sflag:s0], $0x2000;
	s22 =	sor.u32 s22, s23  }
0x13b: {  	[sflag:s0] =	ssyncset.done $0x0;
	s22 =	sshrl.u32 s22, $0x3  }
0x13c: {  	[sflag:s0] =	ssyncadd.s32 $0xFFFFE000;
	s23 =	smin.u32 s20, $0x9A;
	s22 =	sadd.s32 s11, s22  }
0x13d: {  	[tilespmem:s9], [sflag:$0x1] =	stream.linear.gather [hbm4b:s22+s1], $0x80, $0x38;
	[tilespmem:$0x1D680] =	vst v63  }
0x13e: {  	s28 =	sadd.s32 $0xFFFFFF80, s21;
	s22 =	sshll.u32 s23, $0x7  }
0x13f: {  	[spmem:s14] =	stream.indirect.scatter.add.f32 [tilespmem:s7], [sflag:$0x5], $0x80, s28, s18, $0xb8;
	[tilespmem:$0x1D680] =	vst v63  }
0x140: {  	s22 =	sadd.s32 $0x180, s22  }
0x141: {  	[spmem:s17] =	stream.indirect.scatter.add.f32 [tilespmem:s2], [sflag:$0x7], $0x1, s28, s18, $0xb8;
	[tilespmem:$0x1D680] =	vst v63  }
0x142: {  	s28 =	sand.u32 $0xFC00, s22  }
0x143: {  	s22 =	sand.u32 $0x380, s22;
	s23 =	sadd.s32 s16, s28  }
0x144: {  	_ =	swait.ge [sflag:s3], $0x2000;
	s22 =	sor.u32 s22, s23  }
0x145: {  	[sflag:s3] =	ssyncset.done $0x0;
	s22 =	sshrl.u32 s22, $0x3  }
0x146: {  	[sflag:s3] =	ssyncadd.s32 $0xFFFFE000;
	s22 =	sadd.s32 s11, s22  }
0x147: {  	[tilespmem:s12], [sflag:$0x2] =	stream.linear.gather [hbm4b:s22+s1], $0x80, $0x38;
	[tilespmem:$0x1D680] =	vst v63  }
0x148: {  	_ = 	snop  }
0x149: {  	[spmem:s14] =	stream.indirect.scatter.add.f32 [tilespmem:s13], [sflag:$0x6], $0x80, s21, s18, $0xb8;
	[tilespmem:$0x1D680] =	vst v63  }
0x14a: {  	_ = 	snop  }
0x14b: {  	[spmem:s17] =	stream.indirect.scatter.add.f32 [tilespmem:s2], [sflag:$0x7], $0x1, s21, s18, $0xb8;
	[tilespmem:$0x1D680] =	vst v63  }
0x14c: {  	p0 =	seq.s32 s20, $0x9C;
	_ =	swait.ge [sflag:s5], $0x40  }
.Ltmp3:
0x14d: {  	[sflag:s5] =	ssyncset.done $0x0;
	(pc) =	sbr.rel @p0 .LBB2_6-.Ltmp3, $4  }
0x14e: {  	[sflag:s5] =	ssyncadd.s32 $0xFFFFFFC0  }
0x14f: {  	_ =	swait.ge [sflag:s5], $0x40  }
0x150: {  	[sflag:s5] =	ssyncset.done $0x0  }
0x151: {  	[sflag:s5] =	ssyncadd.s32 $0xFFFFFFC0  }
0x152: {  	_ =	swait.ge [sflag:s4], $0x2000  }
0x153: {  	[sflag:s4] =	ssyncset.done $0x0  }
0x154: {  	[sflag:s4] =	ssyncadd.s32 $0xFFFFE000  }
0x155: {  	_ =	swait.ge [sflag:s15], $0x80  }
0x156: {  	[sflag:s15] =	ssyncset.done $0x0  }
0x157: {  	[sflag:s15] =	ssyncadd.s32 $0xFFFFFF80  }
0x158: {  	[tilespmem:s7], [sflag:$0x3] =	stream.indirect.gather [hbm4b:s10+s18], $0x80, s9, s18, $0xb8;
	[tilespmem:$0x1D680] =	vst v63  }
0x159: {  	_ =	swait.ge [sflag:s31], $0x2000  }
0x15a: {  	[sflag:s31] =	ssyncset.done $0x0  }
.Ltmp4:
0x15b: {  	[sflag:s31] =	ssyncadd.s32 $0xFFFFE000;
	(pc) =	sbr.rel .LBB2_4-.Ltmp4, $4  }
0x15c: {  	_ =	swait.ge [sflag:s8], $0x80  }
0x15d: {  	[sflag:s8] =	ssyncset.done $0x0  }
0x15e: {  	s20 =	sadd.s32 $0x2, s20;
	s21 =	sadd.s32 $0x100, s21;
	[sflag:s8] =	ssyncadd.s32 $0xFFFFFF80  }
0x15f: {  	[tilespmem:s13], [sflag:$0x4] =	stream.indirect.gather [hbm4b:s10+s18], $0x80, s12, s18, $0xb8;
	[tilespmem:$0x1D680] =	vst v63  }
.LBB2_7:
0x160: {  	_ =	sfence.sel $0x180000  }
0x161: {  	[bflag:$0x0] =	sbarrier.arrive $0xFFFF  }
0x162: {  	_ =	strace $0x90000047  }
0x163: {  	s0 =	stileid.u32;
	[bflag:$0x2] =	sbarrier.arrive $0xFFFF  }
0x164: {  	p0 =	sne.s32 s0, $0x0;
	s0 =	rddreg [dreg:$0x5]  }
0x165: {  	s0 =	sadd.s32 @!p0 $0x100000, s0  }
0x166: {  	[sflag:s0] =	ssyncadd.tile.s32 @!p0 $0x1;
	_ =	shalt  }
.Lfunc_end2:
_tile_overlayer_lowered:
.L_overlay_start_2:
0x167: {  	(tag) =	ssettag $0x2  }
0x168: {  	s0 =	rddreg [dreg:$0x0];
	s2 =	stileid.u32  }
0x169: {  	s1 =	rddreg [dreg:$0x1];
	p0 =	sne.s32 s2, $0x0  }
0x16a: {  	s3 =	rddreg [dreg:$0x2];
	[bflag:$0x3] =	sbarrier.arrive $0xFFFF;
	s2 =	simm.s32 @!p0 $0x1C08  }
0x16b: {  	[timem:s3], [sflag:s2] =	dma.local @!p0 [hbm:s0], s1  }
0x16c: {  	s0 =	simm.s32 @!p0 $0x8  }
0x16d: {  	_ =	swait.ge @!p0 [sflag:s0], s1  }
0x16e: {  	s1 =	ssub.s32 @!p0 $0x0, s1;
	[sflag:s0] =	ssyncset.done @!p0 $0x0  }
0x16f: {  	[sflag:s0] =	ssyncadd.s32 @!p0 s1  }
0x170: {  	[bflag:$0x3] =	sbarrier.arrive $0xFFFF  }
0x171: {  	_ =	shalt  }

</sc_bundles>
